<compile_context>
chip_gen: v7x
topology: tpu7x:2x2x1
jax: 0.10.2.dev20260603
libtpu: 0.0.44.dev20260713+nightly
codegen_flags: <defaults>
</compile_context>

<pallas_src>
import functools

import jax
import jax.numpy as jnp
from jax import lax
from jax.experimental import pallas as pl
from jax.experimental.pallas import tpu as pltpu
from jax.experimental.pallas import tpu_sc as plsc

_VOCAB = 100000
_EMBED = 64
_HIDDEN = 128
_CTX = 200

_NC = 2
_NS = 16
_NW = _NC * _NS
_IDX_PER_W = 8
_ACTIVE_W = _CTX // _IDX_PER_W

_TILE = 16384
_GRID = (_VOCAB + _TILE - 1) // _TILE
_EDGE = _VOCAB - (_GRID - 1) * _TILE


def _sc_gather_sum(idx_hbm, embt_hbm, out_hbm, idx_v, rows_v, acc_v, sem):
    wid = lax.axis_index("s") * _NC + lax.axis_index("c")

    @pl.when(wid < _ACTIVE_W)
    def _gather():
        base = pl.multiple_of(wid * _IDX_PER_W, _IDX_PER_W)
        pltpu.sync_copy(idx_hbm.at[pl.ds(base, _IDX_PER_W)],
                        idx_v.at[pl.ds(0, _IDX_PER_W)])
        iv = idx_v[...]
        lane = lax.iota(jnp.int32, 16)
        copies = []
        cols = []
        for j in range(_IDX_PER_W):
            col_j = jnp.sum(jnp.where(lane == j, iv, 0))
            start = pl.multiple_of((col_j >> 7) << 7, 128)
            cols.append(col_j & 127)
            copies.append(pltpu.make_async_copy(
                embt_hbm.at[:, pl.ds(start, 128)], rows_v.at[j], sem))
        for c in copies:
            c.start()
        for c in copies:
            c.wait()
        for c in range(_EMBED // 16):
            rid = lax.iota(jnp.int32, 16) + c * 16
            acc = jnp.zeros((16,), jnp.float32)
            for j in range(_IDX_PER_W):
                cj = jnp.broadcast_to(cols[j], (16,))
                acc = acc + plsc.load_gather(rows_v.at[j], [rid, cj])
            acc_v[0, pl.ds(c * 16, 16)] = acc

    @pl.when(wid >= _ACTIVE_W)
    def _zero():
        for c in range(_EMBED // 16):
            acc_v[0, pl.ds(c * 16, 16)] = jnp.zeros((16,), jnp.float32)

    pltpu.sync_copy(acc_v, out_hbm.at[pl.ds(wid, 1)])


@functools.cache
def _sc_gather():
    return pl.kernel(
        _sc_gather_sum,
        out_type=jax.ShapeDtypeStruct((_NW, _EMBED), jnp.float32),
        mesh=plsc.VectorSubcoreMesh(core_axis_name="c", subcore_axis_name="s"),
        scratch_types=[
            pltpu.VMEM((16,), jnp.int32),
            pltpu.VMEM((_IDX_PER_W, _EMBED, 128), jnp.float32),
            pltpu.VMEM((1, _EMBED), jnp.float32),
            pltpu.SemaphoreType.DMA,
        ],
        compiler_params=pltpu.CompilerParams(needs_layout_passes=False),
    )


def _tc_logits(parts_ref, w1_ref, b1_ref, w2_ref, b2_ref, out_ref, hid_ref):
    i = pl.program_id(0)

    @pl.when(i == 0)
    def _head():
        x = jnp.sum(parts_ref[...], axis=0, keepdims=True)
        h = lax.dot_general(
            x, w1_ref[...], (((1,), (1,)), ((), ())),
            preferred_element_type=jnp.float32,
        ) + b1_ref[...]
        hid_ref[...] = jnp.maximum(h, 0.0)

    out_ref[...] = lax.dot_general(
        hid_ref[...], w2_ref[...], (((1,), (1,)), ((), ())),
        preferred_element_type=jnp.float32,
    ) + b2_ref[...].reshape(1, _TILE)


_tc_logits_call = pl.pallas_call(
    _tc_logits,
    grid=(_GRID,),
    in_specs=[
        pl.BlockSpec((_NW, _EMBED), lambda i: (0, 0)),
        pl.BlockSpec((_HIDDEN, _EMBED), lambda i: (0, 0)),
        pl.BlockSpec((1, _HIDDEN), lambda i: (0, 0)),
        pl.BlockSpec((_TILE, _HIDDEN), lambda i: (i, 0)),
        pl.BlockSpec((_TILE,), lambda i: (i,)),
    ],
    out_specs=pl.BlockSpec((1, _TILE), lambda i: (0, i)),
    out_shape=jax.ShapeDtypeStruct((1, _VOCAB), jnp.float32),
    scratch_shapes=[pltpu.VMEM((1, _HIDDEN), jnp.float32)],
    compiler_params=pltpu.CompilerParams(
        dimension_semantics=("arbitrary",),
    ),
)


def _tc_logsoftmax(lg_ref, out_ref):
    full = lg_ref[...]
    m = jnp.max(full)
    lse = m + jnp.log(jnp.sum(jnp.exp(full - m)))
    out_ref[...] = full - lse


_tc_norm_call = pl.pallas_call(
    _tc_logsoftmax,
    in_specs=[pl.BlockSpec((1, _VOCAB), lambda: (0, 0))],
    out_specs=pl.BlockSpec((1, _VOCAB), lambda: (0, 0)),
    out_shape=jax.ShapeDtypeStruct((1, _VOCAB), jnp.float32),
)


@jax.jit
def kernel(inputs, emb, W1, b1, W2, b2):
    parts = _sc_gather()(inputs, emb.T)
    logits = _tc_logits_call(parts, W1, b1.reshape(1, _HIDDEN), W2, b2)
    return _tc_norm_call(logits)

# --- scband reference (transcript-rebuilt; emitter-appended) ---
"""Pipeline reference for scband-cbow-70557722738688 (READ-ONLY COPY).

The authoritative reference and input builder live on the scoring server;
editing this copy changes nothing except your own understanding.
"""

import jax, jax.numpy as jnp
import numpy as np

VOCAB = 100000
EMBED_DIM = 64
HIDDEN_DIM = 128
CTX_LEN = 200


def setup_inputs(seed: int = 0) -> dict:
    key = jax.random.key(seed)
    ks = jax.random.split(key, 6)
    inputs = jax.random.randint(ks[0], (CTX_LEN,), 0, VOCAB, dtype=jnp.int64 if jax.config.jax_enable_x64 else jnp.int32).astype(jnp.int32)
    emb = jax.random.normal(ks[1], (VOCAB, EMBED_DIM), dtype=jnp.float32)
    W1 = jax.random.normal(ks[2], (HIDDEN_DIM, EMBED_DIM), dtype=jnp.float32) * 0.02
    b1 = jnp.zeros((HIDDEN_DIM,), dtype=jnp.float32)
    W2 = jax.random.normal(ks[3], (VOCAB, HIDDEN_DIM), dtype=jnp.float32) * 0.02
    b2 = jnp.zeros((VOCAB,), dtype=jnp.float32)
    return {"inputs": inputs, "emb": emb, "W1": W1, "b1": b1, "W2": W2, "b2": b2}


def reference(inputs, emb, W1, b1, W2, b2):
    # embedding lookup (gather) then sum over the context dimension
    gathered = jnp.take(emb, inputs, axis=0)           # [CTX_LEN, EMBED_DIM]
    input_vector = jnp.sum(gathered, axis=0).reshape(1, -1)  # [1, EMBED_DIM]
    hidden_layer = jax.nn.relu(input_vector @ W1.T + b1)      # [1, HIDDEN_DIM]
    output_layer = hidden_layer @ W2.T + b2                    # [1, VOCAB]
    output = jax.nn.log_softmax(output_layer, axis=-1)
    return output

if __name__ == "__main__":
    import jax
    _d = setup_inputs()
    print(jax.jit(kernel)(*tuple(_d.values())))

</pallas_src>

<mosaic_0001>
#map = affine_map<(d0, d1) -> (0)>
#map1 = affine_map<(d0, d1) -> (0, 0)>
module attributes {stable_mosaic.version = 14 : i64} {
  func.func @_sc_gather_sum(%arg0: i32, %arg1: i32, %arg2: memref<200xi32, #tpu.memory_space<hbm>>, %arg3: memref<64x100000xf32, #tpu.memory_space<hbm>>, %arg4: memref<32x64xf32, #tpu.memory_space<hbm>>, %arg5: memref<16xi32, #tpu.memory_space<vmem>>, %arg6: memref<8x64x128xf32, #tpu.memory_space<vmem>>, %arg7: memref<1x64xf32, #tpu.memory_space<vmem>>, %arg8: memref<!tpu.dma_semaphore, #tpu.memory_space<semaphore_mem>>) attributes {dimension_semantics = [#tpu.dimension_semantics<core_parallel>, #tpu.dimension_semantics<subcore_parallel>], iteration_bounds = array<i64: 2, 16>, scalar_prefetch = 0 : i64, scratch_operands = 4 : i64, tpu.core_type = #tpu.core_type<sc_vector_subcore>, window_params = [{transform_indices = #map}, {transform_indices = #map1}, {transform_indices = #map1}]} {
    %mul3A = arith.constant 2 : i32
    %mul3A_0 = arith.muli %arg1, %mul3A : i32
    %add3A = arith.addi %mul3A_0, %arg0 : i32
    %lt3A = arith.constant 25 : i32
    %lt3A_1 = arith.cmpi slt, %add3A, %lt3A : i32
    %convert_element_type3A = arith.extui %lt3A_1 : i1 to i32
    %cond3A = arith.constant 0 : i32
    %cond3A_2 = arith.cmpi ne, %convert_element_type3A, %cond3A : i32
    scf.if %cond3A_2 {
      %mul3A_7 = arith.constant 8 : i32
      %mul3A_8 = arith.muli %add3A, %mul3A_7 : i32
      %multiple_of3A = tpu.assume_multiple %mul3A_8, 8 : i32
      "tpu.region"() ({
        %run_scoped3A = tpu.sem_alloc : memref<!tpu.dma_semaphore, #tpu.memory_space<semaphore_mem>>
        %dma_start3A_638 = arith.constant 0 : i32
        %dma_start3A_639 = tpu.memref_slice %arg5[%dma_start3A_638] : memref<16xi32, #tpu.memory_space<vmem>> -> memref<8xi32, #tpu.memory_space<vmem>>
        %dma_start3A_640 = tpu.memref_slice %arg2[%multiple_of3A] : memref<200xi32, #tpu.memory_space<hbm>> -> memref<8xi32, #tpu.memory_space<hbm>>
        %dma_start3A_641 = arith.constant 0 : i32
        %dma_start3A_642 = tpu.memref_slice %arg5[%dma_start3A_641] : memref<16xi32, #tpu.memory_space<vmem>> -> memref<8xi32, #tpu.memory_space<vmem>>
        %dma_start3A_643 = tpu.memref_slice %arg2[%multiple_of3A] : memref<200xi32, #tpu.memory_space<hbm>> -> memref<8xi32, #tpu.memory_space<hbm>>
        tpu.enqueue_dma source(%dma_start3A_643 : memref<8xi32, #tpu.memory_space<hbm>>) target(%dma_start3A_642 : memref<8xi32, #tpu.memory_space<vmem>>) target_semaphore(%run_scoped3A : memref<!tpu.dma_semaphore, #tpu.memory_space<semaphore_mem>>)
        %dma_wait3A_644 = arith.constant 0 : i32
        %dma_wait3A_645 = tpu.memref_slice %arg5[%dma_wait3A_644] : memref<16xi32, #tpu.memory_space<vmem>> -> memref<8xi32, #tpu.memory_space<vmem>>
        %dma_wait3A_646 = tpu.memref_slice %arg2[%multiple_of3A] : memref<200xi32, #tpu.memory_space<hbm>> -> memref<8xi32, #tpu.memory_space<hbm>>
        %dma_wait3A_647 = arith.constant 0 : i32
        %dma_wait3A_648 = tpu.memref_slice %arg5[%dma_wait3A_647] : memref<16xi32, #tpu.memory_space<vmem>> -> memref<8xi32, #tpu.memory_space<vmem>>
        %dma_wait3A_649 = tpu.memref_slice %arg2[%multiple_of3A] : memref<200xi32, #tpu.memory_space<hbm>> -> memref<8xi32, #tpu.memory_space<hbm>>
        tpu.wait_dma2 semaphore(%run_scoped3A : memref<!tpu.dma_semaphore, #tpu.memory_space<semaphore_mem>>) src(%dma_wait3A_649 : memref<8xi32, #tpu.memory_space<hbm>>) dst(%dma_wait3A_648 : memref<8xi32, #tpu.memory_space<vmem>>)
        tpu.yield
      }) : () -> ()
      %get3A = arith.constant 0 : index
      %get3A_9 = tpu.vector_load %arg5[%get3A] {strides = array<i32>} : memref<16xi32, #tpu.memory_space<vmem>>, vector<16xi32>,
      %iota3A = tpu.iota {dimensions = array<i32: 0>} : vector<16xi32>
      %eq3A = arith.constant 0 : i32
      %eq3A_10 = vector.broadcast %eq3A : i32 to vector<16xi32>
      %eq3A_11 = arith.cmpi eq, %iota3A, %eq3A_10 : vector<16xi32>
      %jit3A = arith.constant 0 : i32
      %broadcast_in_dim3A = vector.broadcast %jit3A : i32 to vector<16xi32>
      %select_n3A = arith.select %eq3A_11, %get3A_9, %broadcast_in_dim3A : vector<16xi1>, vector<16xi32>
      %reduce_sum3A = arith.constant true
      %reduce_sum3A_12 = vector.broadcast %reduce_sum3A : i1 to vector<16xi1>
      %reduce_sum3A_13 = tpu.scan <sum>, %select_n3A masked %reduce_sum3A_12 : vector<16xi32>, vector<16xi1> -> vector<16xi32>
      %reduce_sum3A_14 = vector.extract %reduce_sum3A_13[15] : i32 from vector<16xi32>
      %shift_right_arithmetic3A = arith.constant 7 : i32
      %shift_right_arithmetic3A_15 = arith.shrsi %reduce_sum3A_14, %shift_right_arithmetic3A : i32
      %shift_left3A = arith.constant 7 : i32
      %shift_left3A_16 = arith.shli %shift_right_arithmetic3A_15, %shift_left3A : i32
      %multiple_of3A_17 = tpu.assume_multiple %shift_left3A_16, 128 : i32
      %and3A = arith.constant 127 : i32
      %and3A_18 = arith.andi %reduce_sum3A_14, %and3A : i32
      %eq3A_19 = arith.constant 1 : i32
      %eq3A_20 = vector.broadcast %eq3A_19 : i32 to vector<16xi32>
      %eq3A_21 = arith.cmpi eq, %iota3A, %eq3A_20 : vector<16xi32>
      %jit3A_22 = arith.constant 0 : i32
      %broadcast_in_dim3A_23 = vector.broadcast %jit3A_22 : i32 to vector<16xi32>
      %select_n3A_24 = arith.select %eq3A_21, %get3A_9, %broadcast_in_dim3A_23 : vector<16xi1>, vector<16xi32>
      %reduce_sum3A_25 = arith.constant true
      %reduce_sum3A_26 = vector.broadcast %reduce_sum3A_25 : i1 to vector<16xi1>
      %reduce_sum3A_27 = tpu.scan <sum>, %select_n3A_24 masked %reduce_sum3A_26 : vector<16xi32>, vector<16xi1> -> vector<16xi32>
      %reduce_sum3A_28 = vector.extract %reduce_sum3A_27[15] : i32 from vector<16xi32>
      %shift_right_arithmetic3A_29 = arith.constant 7 : i32
      %shift_right_arithmetic3A_30 = arith.shrsi %reduce_sum3A_28, %shift_right_arithmetic3A_29 : i32
      %shift_left3A_31 = arith.constant 7 : i32
      %shift_left3A_32 = arith.shli %shift_right_arithmetic3A_30, %shift_left3A_31 : i32
      %multiple_of3A_33 = tpu.assume_multiple %shift_left3A_32, 128 : i32
      %and3A_34 = arith.constant 127 : i32
      %and3A_35 = arith.andi %reduce_sum3A_28, %and3A_34 : i32
      %eq3A_36 = arith.constant 2 : i32
      %eq3A_37 = vector.broadcast %eq3A_36 : i32 to vector<16xi32>
      %eq3A_38 = arith.cmpi eq, %iota3A, %eq3A_37 : vector<16xi32>
      %jit3A_39 = arith.constant 0 : i32
      %broadcast_in_dim3A_40 = vector.broadcast %jit3A_39 : i32 to vector<16xi32>
      %select_n3A_41 = arith.select %eq3A_38, %get3A_9, %broadcast_in_dim3A_40 : vector<16xi1>, vector<16xi32>
      %reduce_sum3A_42 = arith.constant true
      %reduce_sum3A_43 = vector.broadcast %reduce_sum3A_42 : i1 to vector<16xi1>
      %reduce_sum3A_44 = tpu.scan <sum>, %select_n3A_41 masked %reduce_sum3A_43 : vector<16xi32>, vector<16xi1> -> vector<16xi32>
      %reduce_sum3A_45 = vector.extract %reduce_sum3A_44[15] : i32 from vector<16xi32>
      %shift_right_arithmetic3A_46 = arith.constant 7 : i32
      %shift_right_arithmetic3A_47 = arith.shrsi %reduce_sum3A_45, %shift_right_arithmetic3A_46 : i32
      %shift_left3A_48 = arith.constant 7 : i32
      %shift_left3A_49 = arith.shli %shift_right_arithmetic3A_47, %shift_left3A_48 : i32
      %multiple_of3A_50 = tpu.assume_multiple %shift_left3A_49, 128 : i32
      %and3A_51 = arith.constant 127 : i32
      %and3A_52 = arith.andi %reduce_sum3A_45, %and3A_51 : i32
      %eq3A_53 = arith.constant 3 : i32
      %eq3A_54 = vector.broadcast %eq3A_53 : i32 to vector<16xi32>
      %eq3A_55 = arith.cmpi eq, %iota3A, %eq3A_54 : vector<16xi32>
      %jit3A_56 = arith.constant 0 : i32
      %broadcast_in_dim3A_57 = vector.broadcast %jit3A_56 : i32 to vector<16xi32>
      %select_n3A_58 = arith.select %eq3A_55, %get3A_9, %broadcast_in_dim3A_57 : vector<16xi1>, vector<16xi32>
      %reduce_sum3A_59 = arith.constant true
      %reduce_sum3A_60 = vector.broadcast %reduce_sum3A_59 : i1 to vector<16xi1>
      %reduce_sum3A_61 = tpu.scan <sum>, %select_n3A_58 masked %reduce_sum3A_60 : vector<16xi32>, vector<16xi1> -> vector<16xi32>
      %reduce_sum3A_62 = vector.extract %reduce_sum3A_61[15] : i32 from vector<16xi32>
      %shift_right_arithmetic3A_63 = arith.constant 7 : i32
      %shift_right_arithmetic3A_64 = arith.shrsi %reduce_sum3A_62, %shift_right_arithmetic3A_63 : i32
      %shift_left3A_65 = arith.constant 7 : i32
      %shift_left3A_66 = arith.shli %shift_right_arithmetic3A_64, %shift_left3A_65 : i32
      %multiple_of3A_67 = tpu.assume_multiple %shift_left3A_66, 128 : i32
      %and3A_68 = arith.constant 127 : i32
      %and3A_69 = arith.andi %reduce_sum3A_62, %and3A_68 : i32
      %eq3A_70 = arith.constant 4 : i32
      %eq3A_71 = vector.broadcast %eq3A_70 : i32 to vector<16xi32>
      %eq3A_72 = arith.cmpi eq, %iota3A, %eq3A_71 : vector<16xi32>
      %jit3A_73 = arith.constant 0 : i32
      %broadcast_in_dim3A_74 = vector.broadcast %jit3A_73 : i32 to vector<16xi32>
      %select_n3A_75 = arith.select %eq3A_72, %get3A_9, %broadcast_in_dim3A_74 : vector<16xi1>, vector<16xi32>
      %reduce_sum3A_76 = arith.constant true
      %reduce_sum3A_77 = vector.broadcast %reduce_sum3A_76 : i1 to vector<16xi1>
      %reduce_sum3A_78 = tpu.scan <sum>, %select_n3A_75 masked %reduce_sum3A_77 : vector<16xi32>, vector<16xi1> -> vector<16xi32>
      %reduce_sum3A_79 = vector.extract %reduce_sum3A_78[15] : i32 from vector<16xi32>
      %shift_right_arithmetic3A_80 = arith.constant 7 : i32
      %shift_right_arithmetic3A_81 = arith.shrsi %reduce_sum3A_79, %shift_right_arithmetic3A_80 : i32
      %shift_left3A_82 = arith.constant 7 : i32
      %shift_left3A_83 = arith.shli %shift_right_arithmetic3A_81, %shift_left3A_82 : i32
      %multiple_of3A_84 = tpu.assume_multiple %shift_left3A_83, 128 : i32
      %and3A_85 = arith.constant 127 : i32
      %and3A_86 = arith.andi %reduce_sum3A_79, %and3A_85 : i32
      %eq3A_87 = arith.constant 5 : i32
      %eq3A_88 = vector.broadcast %eq3A_87 : i32 to vector<16xi32>
      %eq3A_89 = arith.cmpi eq, %iota3A, %eq3A_88 : vector<16xi32>
      %jit3A_90 = arith.constant 0 : i32
      %broadcast_in_dim3A_91 = vector.broadcast %jit3A_90 : i32 to vector<16xi32>
      %select_n3A_92 = arith.select %eq3A_89, %get3A_9, %broadcast_in_dim3A_91 : vector<16xi1>, vector<16xi32>
      %reduce_sum3A_93 = arith.constant true
      %reduce_sum3A_94 = vector.broadcast %reduce_sum3A_93 : i1 to vector<16xi1>
      %reduce_sum3A_95 = tpu.scan <sum>, %select_n3A_92 masked %reduce_sum3A_94 : vector<16xi32>, vector<16xi1> -> vector<16xi32>
      %reduce_sum3A_96 = vector.extract %reduce_sum3A_95[15] : i32 from vector<16xi32>
      %shift_right_arithmetic3A_97 = arith.constant 7 : i32
      %shift_right_arithmetic3A_98 = arith.shrsi %reduce_sum3A_96, %shift_right_arithmetic3A_97 : i32
      %shift_left3A_99 = arith.constant 7 : i32
      %shift_left3A_100 = arith.shli %shift_right_arithmetic3A_98, %shift_left3A_99 : i32
      %multiple_of3A_101 = tpu.assume_multiple %shift_left3A_100, 128 : i32
      %and3A_102 = arith.constant 127 : i32
      %and3A_103 = arith.andi %reduce_sum3A_96, %and3A_102 : i32
      %eq3A_104 = arith.constant 6 : i32
      %eq3A_105 = vector.broadcast %eq3A_104 : i32 to vector<16xi32>
      %eq3A_106 = arith.cmpi eq, %iota3A, %eq3A_105 : vector<16xi32>
      %jit3A_107 = arith.constant 0 : i32
      %broadcast_in_dim3A_108 = vector.broadcast %jit3A_107 : i32 to vector<16xi32>
      %select_n3A_109 = arith.select %eq3A_106, %get3A_9, %broadcast_in_dim3A_108 : vector<16xi1>, vector<16xi32>
      %reduce_sum3A_110 = arith.constant true
      %reduce_sum3A_111 = vector.broadcast %reduce_sum3A_110 : i1 to vector<16xi1>
      %reduce_sum3A_112 = tpu.scan <sum>, %select_n3A_109 masked %reduce_sum3A_111 : vector<16xi32>, vector<16xi1> -> vector<16xi32>
      %reduce_sum3A_113 = vector.extract %reduce_sum3A_112[15] : i32 from vector<16xi32>
      %shift_right_arithmetic3A_114 = arith.constant 7 : i32
      %shift_right_arithmetic3A_115 = arith.shrsi %reduce_sum3A_113, %shift_right_arithmetic3A_114 : i32
      %shift_left3A_116 = arith.constant 7 : i32
      %shift_left3A_117 = arith.shli %shift_right_arithmetic3A_115, %shift_left3A_116 : i32
      %multiple_of3A_118 = tpu.assume_multiple %shift_left3A_117, 128 : i32
      %and3A_119 = arith.constant 127 : i32
      %and3A_120 = arith.andi %reduce_sum3A_113, %and3A_119 : i32
      %eq3A_121 = arith.constant 7 : i32
      %eq3A_122 = vector.broadcast %eq3A_121 : i32 to vector<16xi32>
      %eq3A_123 = arith.cmpi eq, %iota3A, %eq3A_122 : vector<16xi32>
      %jit3A_124 = arith.constant 0 : i32
      %broadcast_in_dim3A_125 = vector.broadcast %jit3A_124 : i32 to vector<16xi32>
      %select_n3A_126 = arith.select %eq3A_123, %get3A_9, %broadcast_in_dim3A_125 : vector<16xi1>, vector<16xi32>
      %reduce_sum3A_127 = arith.constant true
      %reduce_sum3A_128 = vector.broadcast %reduce_sum3A_127 : i1 to vector<16xi1>
      %reduce_sum3A_129 = tpu.scan <sum>, %select_n3A_126 masked %reduce_sum3A_128 : vector<16xi32>, vector<16xi1> -> vector<16xi32>
      %reduce_sum3A_130 = vector.extract %reduce_sum3A_129[15] : i32 from vector<16xi32>
      %shift_right_arithmetic3A_131 = arith.constant 7 : i32
      %shift_right_arithmetic3A_132 = arith.shrsi %reduce_sum3A_130, %shift_right_arithmetic3A_131 : i32
      %shift_left3A_133 = arith.constant 7 : i32
      %shift_left3A_134 = arith.shli %shift_right_arithmetic3A_132, %shift_left3A_133 : i32
      %multiple_of3A_135 = tpu.assume_multiple %shift_left3A_134, 128 : i32
      %and3A_136 = arith.constant 127 : i32
      %and3A_137 = arith.andi %reduce_sum3A_130, %and3A_136 : i32
      %dma_start3A = arith.constant 0 : i32
      %dma_start3A_138 = arith.constant 0 : i32
      %dma_start3A_139 = arith.constant 0 : i32
      %dma_start3A_140 = tpu.memref_slice %arg6[%dma_start3A, %dma_start3A_138, %dma_start3A_139] : memref<8x64x128xf32, #tpu.memory_space<vmem>> -> memref<1x64x128xf32, #tpu.memory_space<vmem>>
      %dma_start3A_141 = tpu.memref_squeeze %dma_start3A_140 : memref<1x64x128xf32, #tpu.memory_space<vmem>> -> memref<64x128xf32, #tpu.memory_space<vmem>>
      %dma_start3A_142 = arith.constant 0 : i32
      %dma_start3A_143 = tpu.memref_slice %arg3[%dma_start3A_142, %multiple_of3A_17] : memref<64x100000xf32, #tpu.memory_space<hbm>> -> memref<64x128xf32, #tpu.memory_space<hbm>>
      %dma_start3A_144 = arith.constant 0 : i32
      %dma_start3A_145 = arith.constant 0 : i32
      %dma_start3A_146 = tpu.memref_slice %arg6[%dma_start3A, %dma_start3A_144, %dma_start3A_145] : memref<8x64x128xf32, #tpu.memory_space<vmem>> -> memref<1x64x128xf32, #tpu.memory_space<vmem>>
      %dma_start3A_147 = tpu.memref_squeeze %dma_start3A_146 : memref<1x64x128xf32, #tpu.memory_space<vmem>> -> memref<64x128xf32, #tpu.memory_space<vmem>>
      %dma_start3A_148 = arith.constant 0 : i32
      %dma_start3A_149 = tpu.memref_slice %arg3[%dma_start3A_148, %multiple_of3A_17] : memref<64x100000xf32, #tpu.memory_space<hbm>> -> memref<64x128xf32, #tpu.memory_space<hbm>>
      tpu.enqueue_dma source(%dma_start3A_149 : memref<64x128xf32, #tpu.memory_space<hbm>>) target(%dma_start3A_147 : memref<64x128xf32, #tpu.memory_space<vmem>>) target_semaphore(%arg8 : memref<!tpu.dma_semaphore, #tpu.memory_space<semaphore_mem>>)
      %dma_start3A_150 = arith.constant 1 : i32
      %dma_start3A_151 = arith.constant 0 : i32
      %dma_start3A_152 = arith.constant 0 : i32
      %dma_start3A_153 = tpu.memref_slice %arg6[%dma_start3A_150, %dma_start3A_151, %dma_start3A_152] : memref<8x64x128xf32, #tpu.memory_space<vmem>> -> memref<1x64x128xf32, #tpu.memory_space<vmem>>
      %dma_start3A_154 = tpu.memref_squeeze %dma_start3A_153 : memref<1x64x128xf32, #tpu.memory_space<vmem>> -> memref<64x128xf32, #tpu.memory_space<vmem>>
      %dma_start3A_155 = arith.constant 0 : i32
      %dma_start3A_156 = tpu.memref_slice %arg3[%dma_start3A_155, %multiple_of3A_33] : memref<64x100000xf32, #tpu.memory_space<hbm>> -> memref<64x128xf32, #tpu.memory_space<hbm>>
      %dma_start3A_157 = arith.constant 0 : i32
      %dma_start3A_158 = arith.constant 0 : i32
      %dma_start3A_159 = tpu.memref_slice %arg6[%dma_start3A_150, %dma_start3A_157, %dma_start3A_158] : memref<8x64x128xf32, #tpu.memory_space<vmem>> -> memref<1x64x128xf32, #tpu.memory_space<vmem>>
      %dma_start3A_160 = tpu.memref_squeeze %dma_start3A_159 : memref<1x64x128xf32, #tpu.memory_space<vmem>> -> memref<64x128xf32, #tpu.memory_space<vmem>>
      %dma_start3A_161 = arith.constant 0 : i32
      %dma_start3A_162 = tpu.memref_slice %arg3[%dma_start3A_161, %multiple_of3A_33] : memref<64x100000xf32, #tpu.memory_space<hbm>> -> memref<64x128xf32, #tpu.memory_space<hbm>>
      tpu.enqueue_dma source(%dma_start3A_162 : memref<64x128xf32, #tpu.memory_space<hbm>>) target(%dma_start3A_160 : memref<64x128xf32, #tpu.memory_space<vmem>>) target_semaphore(%arg8 : memref<!tpu.dma_semaphore, #tpu.memory_space<semaphore_mem>>)
      %dma_start3A_163 = arith.constant 2 : i32
      %dma_start3A_164 = arith.constant 0 : i32
      %dma_start3A_165 = arith.constant 0 : i32
      %dma_start3A_166 = tpu.memref_slice %arg6[%dma_start3A_163, %dma_start3A_164, %dma_start3A_165] : memref<8x64x128xf32, #tpu.memory_space<vmem>> -> memref<1x64x128xf32, #tpu.memory_space<vmem>>
      %dma_start3A_167 = tpu.memref_squeeze %dma_start3A_166 : memref<1x64x128xf32, #tpu.memory_space<vmem>> -> memref<64x128xf32, #tpu.memory_space<vmem>>
      %dma_start3A_168 = arith.constant 0 : i32
      %dma_start3A_169 = tpu.memref_slice %arg3[%dma_start3A_168, %multiple_of3A_50] : memref<64x100000xf32, #tpu.memory_space<hbm>> -> memref<64x128xf32, #tpu.memory_space<hbm>>
      %dma_start3A_170 = arith.constant 0 : i32
      %dma_start3A_171 = arith.constant 0 : i32
      %dma_start3A_172 = tpu.memref_slice %arg6[%dma_start3A_163, %dma_start3A_170, %dma_start3A_171] : memref<8x64x128xf32, #tpu.memory_space<vmem>> -> memref<1x64x128xf32, #tpu.memory_space<vmem>>
      %dma_start3A_173 = tpu.memref_squeeze %dma_start3A_172 : memref<1x64x128xf32, #tpu.memory_space<vmem>> -> memref<64x128xf32, #tpu.memory_space<vmem>>
      %dma_start3A_174 = arith.constant 0 : i32
      %dma_start3A_175 = tpu.memref_slice %arg3[%dma_start3A_174, %multiple_of3A_50] : memref<64x100000xf32, #tpu.memory_space<hbm>> -> memref<64x128xf32, #tpu.memory_space<hbm>>
      tpu.enqueue_dma source(%dma_start3A_175 : memref<64x128xf32, #tpu.memory_space<hbm>>) target(%dma_start3A_173 : memref<64x128xf32, #tpu.memory_space<vmem>>) target_semaphore(%arg8 : memref<!tpu.dma_semaphore, #tpu.memory_space<semaphore_mem>>)
      %dma_start3A_176 = arith.constant 3 : i32
      %dma_start3A_177 = arith.constant 0 : i32
      %dma_start3A_178 = arith.constant 0 : i32
      %dma_start3A_179 = tpu.memref_slice %arg6[%dma_start3A_176, %dma_start3A_177, %dma_start3A_178] : memref<8x64x128xf32, #tpu.memory_space<vmem>> -> memref<1x64x128xf32, #tpu.memory_space<vmem>>
      %dma_start3A_180 = tpu.memref_squeeze %dma_start3A_179 : memref<1x64x128xf32, #tpu.memory_space<vmem>> -> memref<64x128xf32, #tpu.memory_space<vmem>>
      %dma_start3A_181 = arith.constant 0 : i32
      %dma_start3A_182 = tpu.memref_slice %arg3[%dma_start3A_181, %multiple_of3A_67] : memref<64x100000xf32, #tpu.memory_space<hbm>> -> memref<64x128xf32, #tpu.memory_space<hbm>>
      %dma_start3A_183 = arith.constant 0 : i32
      %dma_start3A_184 = arith.constant 0 : i32
      %dma_start3A_185 = tpu.memref_slice %arg6[%dma_start3A_176, %dma_start3A_183, %dma_start3A_184] : memref<8x64x128xf32, #tpu.memory_space<vmem>> -> memref<1x64x128xf32, #tpu.memory_space<vmem>>
      %dma_start3A_186 = tpu.memref_squeeze %dma_start3A_185 : memref<1x64x128xf32, #tpu.memory_space<vmem>> -> memref<64x128xf32, #tpu.memory_space<vmem>>
      %dma_start3A_187 = arith.constant 0 : i32
      %dma_start3A_188 = tpu.memref_slice %arg3[%dma_start3A_187, %multiple_of3A_67] : memref<64x100000xf32, #tpu.memory_space<hbm>> -> memref<64x128xf32, #tpu.memory_space<hbm>>
      tpu.enqueue_dma source(%dma_start3A_188 : memref<64x128xf32, #tpu.memory_space<hbm>>) target(%dma_start3A_186 : memref<64x128xf32, #tpu.memory_space<vmem>>) target_semaphore(%arg8 : memref<!tpu.dma_semaphore, #tpu.memory_space<semaphore_mem>>)
      %dma_start3A_189 = arith.constant 4 : i32
      %dma_start3A_190 = arith.constant 0 : i32
      %dma_start3A_191 = arith.constant 0 : i32
      %dma_start3A_192 = tpu.memref_slice %arg6[%dma_start3A_189, %dma_start3A_190, %dma_start3A_191] : memref<8x64x128xf32, #tpu.memory_space<vmem>> -> memref<1x64x128xf32, #tpu.memory_space<vmem>>
      %dma_start3A_193 = tpu.memref_squeeze %dma_start3A_192 : memref<1x64x128xf32, #tpu.memory_space<vmem>> -> memref<64x128xf32, #tpu.memory_space<vmem>>
      %dma_start3A_194 = arith.constant 0 : i32
      %dma_start3A_195 = tpu.memref_slice %arg3[%dma_start3A_194, %multiple_of3A_84] : memref<64x100000xf32, #tpu.memory_space<hbm>> -> memref<64x128xf32, #tpu.memory_space<hbm>>
      %dma_start3A_196 = arith.constant 0 : i32
      %dma_start3A_197 = arith.constant 0 : i32
      %dma_start3A_198 = tpu.memref_slice %arg6[%dma_start3A_189, %dma_start3A_196, %dma_start3A_197] : memref<8x64x128xf32, #tpu.memory_space<vmem>> -> memref<1x64x128xf32, #tpu.memory_space<vmem>>
      %dma_start3A_199 = tpu.memref_squeeze %dma_start3A_198 : memref<1x64x128xf32, #tpu.memory_space<vmem>> -> memref<64x128xf32, #tpu.memory_space<vmem>>
      %dma_start3A_200 = arith.constant 0 : i32
      %dma_start3A_201 = tpu.memref_slice %arg3[%dma_start3A_200, %multiple_of3A_84] : memref<64x100000xf32, #tpu.memory_space<hbm>> -> memref<64x128xf32, #tpu.memory_space<hbm>>
      tpu.enqueue_dma source(%dma_start3A_201 : memref<64x128xf32, #tpu.memory_space<hbm>>) target(%dma_start3A_199 : memref<64x128xf32, #tpu.memory_space<vmem>>) target_semaphore(%arg8 : memref<!tpu.dma_semaphore, #tpu.memory_space<semaphore_mem>>)
      %dma_start3A_202 = arith.constant 5 : i32
      %dma_start3A_203 = arith.constant 0 : i32
      %dma_start3A_204 = arith.constant 0 : i32
      %dma_start3A_205 = tpu.memref_slice %arg6[%dma_start3A_202, %dma_start3A_203, %dma_start3A_204] : memref<8x64x128xf32, #tpu.memory_space<vmem>> -> memref<1x64x128xf32, #tpu.memory_space<vmem>>
      %dma_start3A_206 = tpu.memref_squeeze %dma_start3A_205 : memref<1x64x128xf32, #tpu.memory_space<vmem>> -> memref<64x128xf32, #tpu.memory_space<vmem>>
      %dma_start3A_207 = arith.constant 0 : i32
      %dma_start3A_208 = tpu.memref_slice %arg3[%dma_start3A_207, %multiple_of3A_101] : memref<64x100000xf32, #tpu.memory_space<hbm>> -> memref<64x128xf32, #tpu.memory_space<hbm>>
      %dma_start3A_209 = arith.constant 0 : i32
      %dma_start3A_210 = arith.constant 0 : i32
      %dma_start3A_211 = tpu.memref_slice %arg6[%dma_start3A_202, %dma_start3A_209, %dma_start3A_210] : memref<8x64x128xf32, #tpu.memory_space<vmem>> -> memref<1x64x128xf32, #tpu.memory_space<vmem>>
      %dma_start3A_212 = tpu.memref_squeeze %dma_start3A_211 : memref<1x64x128xf32, #tpu.memory_space<vmem>> -> memref<64x128xf32, #tpu.memory_space<vmem>>
      %dma_start3A_213 = arith.constant 0 : i32
      %dma_start3A_214 = tpu.memref_slice %arg3[%dma_start3A_213, %multiple_of3A_101] : memref<64x100000xf32, #tpu.memory_space<hbm>> -> memref<64x128xf32, #tpu.memory_space<hbm>>
      tpu.enqueue_dma source(%dma_start3A_214 : memref<64x128xf32, #tpu.memory_space<hbm>>) target(%dma_start3A_212 : memref<64x128xf32, #tpu.memory_space<vmem>>) target_semaphore(%arg8 : memref<!tpu.dma_semaphore, #tpu.memory_space<semaphore_mem>>)
      %dma_start3A_215 = arith.constant 6 : i32
      %dma_start3A_216 = arith.constant 0 : i32
      %dma_start3A_217 = arith.constant 0 : i32
      %dma_start3A_218 = tpu.memref_slice %arg6[%dma_start3A_215, %dma_start3A_216, %dma_start3A_217] : memref<8x64x128xf32, #tpu.memory_space<vmem>> -> memref<1x64x128xf32, #tpu.memory_space<vmem>>
      %dma_start3A_219 = tpu.memref_squeeze %dma_start3A_218 : memref<1x64x128xf32, #tpu.memory_space<vmem>> -> memref<64x128xf32, #tpu.memory_space<vmem>>
      %dma_start3A_220 = arith.constant 0 : i32
      %dma_start3A_221 = tpu.memref_slice %arg3[%dma_start3A_220, %multiple_of3A_118] : memref<64x100000xf32, #tpu.memory_space<hbm>> -> memref<64x128xf32, #tpu.memory_space<hbm>>
      %dma_start3A_222 = arith.constant 0 : i32
      %dma_start3A_223 = arith.constant 0 : i32
      %dma_start3A_224 = tpu.memref_slice %arg6[%dma_start3A_215, %dma_start3A_222, %dma_start3A_223] : memref<8x64x128xf32, #tpu.memory_space<vmem>> -> memref<1x64x128xf32, #tpu.memory_space<vmem>>
      %dma_start3A_225 = tpu.memref_squeeze %dma_start3A_224 : memref<1x64x128xf32, #tpu.memory_space<vmem>> -> memref<64x128xf32, #tpu.memory_space<vmem>>
      %dma_start3A_226 = arith.constant 0 : i32
      %dma_start3A_227 = tpu.memref_slice %arg3[%dma_start3A_226, %multiple_of3A_118] : memref<64x100000xf32, #tpu.memory_space<hbm>> -> memref<64x128xf32, #tpu.memory_space<hbm>>
      tpu.enqueue_dma source(%dma_start3A_227 : memref<64x128xf32, #tpu.memory_space<hbm>>) target(%dma_start3A_225 : memref<64x128xf32, #tpu.memory_space<vmem>>) target_semaphore(%arg8 : memref<!tpu.dma_semaphore, #tpu.memory_space<semaphore_mem>>)
      %dma_start3A_228 = arith.constant 7 : i32
      %dma_start3A_229 = arith.constant 0 : i32
      %dma_start3A_230 = arith.constant 0 : i32
      %dma_start3A_231 = tpu.memref_slice %arg6[%dma_start3A_228, %dma_start3A_229, %dma_start3A_230] : memref<8x64x128xf32, #tpu.memory_space<vmem>> -> memref<1x64x128xf32, #tpu.memory_space<vmem>>
      %dma_start3A_232 = tpu.memref_squeeze %dma_start3A_231 : memref<1x64x128xf32, #tpu.memory_space<vmem>> -> memref<64x128xf32, #tpu.memory_space<vmem>>
      %dma_start3A_233 = arith.constant 0 : i32
      %dma_start3A_234 = tpu.memref_slice %arg3[%dma_start3A_233, %multiple_of3A_135] : memref<64x100000xf32, #tpu.memory_space<hbm>> -> memref<64x128xf32, #tpu.memory_space<hbm>>
      %dma_start3A_235 = arith.constant 0 : i32
      %dma_start3A_236 = arith.constant 0 : i32
      %dma_start3A_237 = tpu.memref_slice %arg6[%dma_start3A_228, %dma_start3A_235, %dma_start3A_236] : memref<8x64x128xf32, #tpu.memory_space<vmem>> -> memref<1x64x128xf32, #tpu.memory_space<vmem>>
      %dma_start3A_238 = tpu.memref_squeeze %dma_start3A_237 : memref<1x64x128xf32, #tpu.memory_space<vmem>> -> memref<64x128xf32, #tpu.memory_space<vmem>>
      %dma_start3A_239 = arith.constant 0 : i32
      %dma_start3A_240 = tpu.memref_slice %arg3[%dma_start3A_239, %multiple_of3A_135] : memref<64x100000xf32, #tpu.memory_space<hbm>> -> memref<64x128xf32, #tpu.memory_space<hbm>>
      tpu.enqueue_dma source(%dma_start3A_240 : memref<64x128xf32, #tpu.memory_space<hbm>>) target(%dma_start3A_238 : memref<64x128xf32, #tpu.memory_space<vmem>>) target_semaphore(%arg8 : memref<!tpu.dma_semaphore, #tpu.memory_space<semaphore_mem>>)
      %dma_wait3A = arith.constant 0 : i32
      %dma_wait3A_241 = arith.constant 0 : i32
      %dma_wait3A_242 = arith.constant 0 : i32
      %dma_wait3A_243 = tpu.memref_slice %arg6[%dma_wait3A, %dma_wait3A_241, %dma_wait3A_242] : memref<8x64x128xf32, #tpu.memory_space<vmem>> -> memref<1x64x128xf32, #tpu.memory_space<vmem>>
      %dma_wait3A_244 = tpu.memref_squeeze %dma_wait3A_243 : memref<1x64x128xf32, #tpu.memory_space<vmem>> -> memref<64x128xf32, #tpu.memory_space<vmem>>
      %dma_wait3A_245 = arith.constant 0 : i32
      %dma_wait3A_246 = tpu.memref_slice %arg3[%dma_wait3A_245, %multiple_of3A_17] : memref<64x100000xf32, #tpu.memory_space<hbm>> -> memref<64x128xf32, #tpu.memory_space<hbm>>
      %dma_wait3A_247 = arith.constant 0 : i32
      %dma_wait3A_248 = arith.constant 0 : i32
      %dma_wait3A_249 = tpu.memref_slice %arg6[%dma_wait3A, %dma_wait3A_247, %dma_wait3A_248] : memref<8x64x128xf32, #tpu.memory_space<vmem>> -> memref<1x64x128xf32, #tpu.memory_space<vmem>>
      %dma_wait3A_250 = tpu.memref_squeeze %dma_wait3A_249 : memref<1x64x128xf32, #tpu.memory_space<vmem>> -> memref<64x128xf32, #tpu.memory_space<vmem>>
      %dma_wait3A_251 = arith.constant 0 : i32
      %dma_wait3A_252 = tpu.memref_slice %arg3[%dma_wait3A_251, %multiple_of3A_17] : memref<64x100000xf32, #tpu.memory_space<hbm>> -> memref<64x128xf32, #tpu.memory_space<hbm>>
      tpu.wait_dma2 semaphore(%arg8 : memref<!tpu.dma_semaphore, #tpu.memory_space<semaphore_mem>>) src(%dma_wait3A_252 : memref<64x128xf32, #tpu.memory_space<hbm>>) dst(%dma_wait3A_250 : memref<64x128xf32, #tpu.memory_space<vmem>>)
      %dma_wait3A_253 = arith.constant 1 : i32
      %dma_wait3A_254 = arith.constant 0 : i32
      %dma_wait3A_255 = arith.constant 0 : i32
      %dma_wait3A_256 = tpu.memref_slice %arg6[%dma_wait3A_253, %dma_wait3A_254, %dma_wait3A_255] : memref<8x64x128xf32, #tpu.memory_space<vmem>> -> memref<1x64x128xf32, #tpu.memory_space<vmem>>
      %dma_wait3A_257 = tpu.memref_squeeze %dma_wait3A_256 : memref<1x64x128xf32, #tpu.memory_space<vmem>> -> memref<64x128xf32, #tpu.memory_space<vmem>>
      %dma_wait3A_258 = arith.constant 0 : i32
      %dma_wait3A_259 = tpu.memref_slice %arg3[%dma_wait3A_258, %multiple_of3A_33] : memref<64x100000xf32, #tpu.memory_space<hbm>> -> memref<64x128xf32, #tpu.memory_space<hbm>>
      %dma_wait3A_260 = arith.constant 0 : i32
      %dma_wait3A_261 = arith.constant 0 : i32
      %dma_wait3A_262 = tpu.memref_slice %arg6[%dma_wait3A_253, %dma_wait3A_260, %dma_wait3A_261] : memref<8x64x128xf32, #tpu.memory_space<vmem>> -> memref<1x64x128xf32, #tpu.memory_space<vmem>>
      %dma_wait3A_263 = tpu.memref_squeeze %dma_wait3A_262 : memref<1x64x128xf32, #tpu.memory_space<vmem>> -> memref<64x128xf32, #tpu.memory_space<vmem>>
      %dma_wait3A_264 = arith.constant 0 : i32
      %dma_wait3A_265 = tpu.memref_slice %arg3[%dma_wait3A_264, %multiple_of3A_33] : memref<64x100000xf32, #tpu.memory_space<hbm>> -> memref<64x128xf32, #tpu.memory_space<hbm>>
      tpu.wait_dma2 semaphore(%arg8 : memref<!tpu.dma_semaphore, #tpu.memory_space<semaphore_mem>>) src(%dma_wait3A_265 : memref<64x128xf32, #tpu.memory_space<hbm>>) dst(%dma_wait3A_263 : memref<64x128xf32, #tpu.memory_space<vmem>>)
      %dma_wait3A_266 = arith.constant 2 : i32
      %dma_wait3A_267 = arith.constant 0 : i32
      %dma_wait3A_268 = arith.constant 0 : i32
      %dma_wait3A_269 = tpu.memref_slice %arg6[%dma_wait3A_266, %dma_wait3A_267, %dma_wait3A_268] : memref<8x64x128xf32, #tpu.memory_space<vmem>> -> memref<1x64x128xf32, #tpu.memory_space<vmem>>
      %dma_wait3A_270 = tpu.memref_squeeze %dma_wait3A_269 : memref<1x64x128xf32, #tpu.memory_space<vmem>> -> memref<64x128xf32, #tpu.memory_space<vmem>>
      %dma_wait3A_271 = arith.constant 0 : i32
      %dma_wait3A_272 = tpu.memref_slice %arg3[%dma_wait3A_271, %multiple_of3A_50] : memref<64x100000xf32, #tpu.memory_space<hbm>> -> memref<64x128xf32, #tpu.memory_space<hbm>>
      %dma_wait3A_273 = arith.constant 0 : i32
      %dma_wait3A_274 = arith.constant 0 : i32
      %dma_wait3A_275 = tpu.memref_slice %arg6[%dma_wait3A_266, %dma_wait3A_273, %dma_wait3A_274] : memref<8x64x128xf32, #tpu.memory_space<vmem>> -> memref<1x64x128xf32, #tpu.memory_space<vmem>>
      %dma_wait3A_276 = tpu.memref_squeeze %dma_wait3A_275 : memref<1x64x128xf32, #tpu.memory_space<vmem>> -> memref<64x128xf32, #tpu.memory_space<vmem>>
      %dma_wait3A_277 = arith.constant 0 : i32
      %dma_wait3A_278 = tpu.memref_slice %arg3[%dma_wait3A_277, %multiple_of3A_50] : memref<64x100000xf32, #tpu.memory_space<hbm>> -> memref<64x128xf32, #tpu.memory_space<hbm>>
      tpu.wait_dma2 semaphore(%arg8 : memref<!tpu.dma_semaphore, #tpu.memory_space<semaphore_mem>>) src(%dma_wait3A_278 : memref<64x128xf32, #tpu.memory_space<hbm>>) dst(%dma_wait3A_276 : memref<64x128xf32, #tpu.memory_space<vmem>>)
      %dma_wait3A_279 = arith.constant 3 : i32
      %dma_wait3A_280 = arith.constant 0 : i32
      %dma_wait3A_281 = arith.constant 0 : i32
      %dma_wait3A_282 = tpu.memref_slice %arg6[%dma_wait3A_279, %dma_wait3A_280, %dma_wait3A_281] : memref<8x64x128xf32, #tpu.memory_space<vmem>> -> memref<1x64x128xf32, #tpu.memory_space<vmem>>
      %dma_wait3A_283 = tpu.memref_squeeze %dma_wait3A_282 : memref<1x64x128xf32, #tpu.memory_space<vmem>> -> memref<64x128xf32, #tpu.memory_space<vmem>>
      %dma_wait3A_284 = arith.constant 0 : i32
      %dma_wait3A_285 = tpu.memref_slice %arg3[%dma_wait3A_284, %multiple_of3A_67] : memref<64x100000xf32, #tpu.memory_space<hbm>> -> memref<64x128xf32, #tpu.memory_space<hbm>>
      %dma_wait3A_286 = arith.constant 0 : i32
      %dma_wait3A_287 = arith.constant 0 : i32
      %dma_wait3A_288 = tpu.memref_slice %arg6[%dma_wait3A_279, %dma_wait3A_286, %dma_wait3A_287] : memref<8x64x128xf32, #tpu.memory_space<vmem>> -> memref<1x64x128xf32, #tpu.memory_space<vmem>>
      %dma_wait3A_289 = tpu.memref_squeeze %dma_wait3A_288 : memref<1x64x128xf32, #tpu.memory_space<vmem>> -> memref<64x128xf32, #tpu.memory_space<vmem>>
      %dma_wait3A_290 = arith.constant 0 : i32
      %dma_wait3A_291 = tpu.memref_slice %arg3[%dma_wait3A_290, %multiple_of3A_67] : memref<64x100000xf32, #tpu.memory_space<hbm>> -> memref<64x128xf32, #tpu.memory_space<hbm>>
      tpu.wait_dma2 semaphore(%arg8 : memref<!tpu.dma_semaphore, #tpu.memory_space<semaphore_mem>>) src(%dma_wait3A_291 : memref<64x128xf32, #tpu.memory_space<hbm>>) dst(%dma_wait3A_289 : memref<64x128xf32, #tpu.memory_space<vmem>>)
      %dma_wait3A_292 = arith.constant 4 : i32
      %dma_wait3A_293 = arith.constant 0 : i32
      %dma_wait3A_294 = arith.constant 0 : i32
      %dma_wait3A_295 = tpu.memref_slice %arg6[%dma_wait3A_292, %dma_wait3A_293, %dma_wait3A_294] : memref<8x64x128xf32, #tpu.memory_space<vmem>> -> memref<1x64x128xf32, #tpu.memory_space<vmem>>
      %dma_wait3A_296 = tpu.memref_squeeze %dma_wait3A_295 : memref<1x64x128xf32, #tpu.memory_space<vmem>> -> memref<64x128xf32, #tpu.memory_space<vmem>>
      %dma_wait3A_297 = arith.constant 0 : i32
      %dma_wait3A_298 = tpu.memref_slice %arg3[%dma_wait3A_297, %multiple_of3A_84] : memref<64x100000xf32, #tpu.memory_space<hbm>> -> memref<64x128xf32, #tpu.memory_space<hbm>>
      %dma_wait3A_299 = arith.constant 0 : i32
      %dma_wait3A_300 = arith.constant 0 : i32
      %dma_wait3A_301 = tpu.memref_slice %arg6[%dma_wait3A_292, %dma_wait3A_299, %dma_wait3A_300] : memref<8x64x128xf32, #tpu.memory_space<vmem>> -> memref<1x64x128xf32, #tpu.memory_space<vmem>>
      %dma_wait3A_302 = tpu.memref_squeeze %dma_wait3A_301 : memref<1x64x128xf32, #tpu.memory_space<vmem>> -> memref<64x128xf32, #tpu.memory_space<vmem>>
      %dma_wait3A_303 = arith.constant 0 : i32
      %dma_wait3A_304 = tpu.memref_slice %arg3[%dma_wait3A_303, %multiple_of3A_84] : memref<64x100000xf32, #tpu.memory_space<hbm>> -> memref<64x128xf32, #tpu.memory_space<hbm>>
      tpu.wait_dma2 semaphore(%arg8 : memref<!tpu.dma_semaphore, #tpu.memory_space<semaphore_mem>>) src(%dma_wait3A_304 : memref<64x128xf32, #tpu.memory_space<hbm>>) dst(%dma_wait3A_302 : memref<64x128xf32, #tpu.memory_space<vmem>>)
      %dma_wait3A_305 = arith.constant 5 : i32
      %dma_wait3A_306 = arith.constant 0 : i32
      %dma_wait3A_307 = arith.constant 0 : i32
      %dma_wait3A_308 = tpu.memref_slice %arg6[%dma_wait3A_305, %dma_wait3A_306, %dma_wait3A_307] : memref<8x64x128xf32, #tpu.memory_space<vmem>> -> memref<1x64x128xf32, #tpu.memory_space<vmem>>
      %dma_wait3A_309 = tpu.memref_squeeze %dma_wait3A_308 : memref<1x64x128xf32, #tpu.memory_space<vmem>> -> memref<64x128xf32, #tpu.memory_space<vmem>>
      %dma_wait3A_310 = arith.constant 0 : i32
      %dma_wait3A_311 = tpu.memref_slice %arg3[%dma_wait3A_310, %multiple_of3A_101] : memref<64x100000xf32, #tpu.memory_space<hbm>> -> memref<64x128xf32, #tpu.memory_space<hbm>>
      %dma_wait3A_312 = arith.constant 0 : i32
      %dma_wait3A_313 = arith.constant 0 : i32
      %dma_wait3A_314 = tpu.memref_slice %arg6[%dma_wait3A_305, %dma_wait3A_312, %dma_wait3A_313] : memref<8x64x128xf32, #tpu.memory_space<vmem>> -> memref<1x64x128xf32, #tpu.memory_space<vmem>>
      %dma_wait3A_315 = tpu.memref_squeeze %dma_wait3A_314 : memref<1x64x128xf32, #tpu.memory_space<vmem>> -> memref<64x128xf32, #tpu.memory_space<vmem>>
      %dma_wait3A_316 = arith.constant 0 : i32
      %dma_wait3A_317 = tpu.memref_slice %arg3[%dma_wait3A_316, %multiple_of3A_101] : memref<64x100000xf32, #tpu.memory_space<hbm>> -> memref<64x128xf32, #tpu.memory_space<hbm>>
      tpu.wait_dma2 semaphore(%arg8 : memref<!tpu.dma_semaphore, #tpu.memory_space<semaphore_mem>>) src(%dma_wait3A_317 : memref<64x128xf32, #tpu.memory_space<hbm>>) dst(%dma_wait3A_315 : memref<64x128xf32, #tpu.memory_space<vmem>>)
      %dma_wait3A_318 = arith.constant 6 : i32
      %dma_wait3A_319 = arith.constant 0 : i32
      %dma_wait3A_320 = arith.constant 0 : i32
      %dma_wait3A_321 = tpu.memref_slice %arg6[%dma_wait3A_318, %dma_wait3A_319, %dma_wait3A_320] : memref<8x64x128xf32, #tpu.memory_space<vmem>> -> memref<1x64x128xf32, #tpu.memory_space<vmem>>
      %dma_wait3A_322 = tpu.memref_squeeze %dma_wait3A_321 : memref<1x64x128xf32, #tpu.memory_space<vmem>> -> memref<64x128xf32, #tpu.memory_space<vmem>>
      %dma_wait3A_323 = arith.constant 0 : i32
      %dma_wait3A_324 = tpu.memref_slice %arg3[%dma_wait3A_323, %multiple_of3A_118] : memref<64x100000xf32, #tpu.memory_space<hbm>> -> memref<64x128xf32, #tpu.memory_space<hbm>>
      %dma_wait3A_325 = arith.constant 0 : i32
      %dma_wait3A_326 = arith.constant 0 : i32
      %dma_wait3A_327 = tpu.memref_slice %arg6[%dma_wait3A_318, %dma_wait3A_325, %dma_wait3A_326] : memref<8x64x128xf32, #tpu.memory_space<vmem>> -> memref<1x64x128xf32, #tpu.memory_space<vmem>>
      %dma_wait3A_328 = tpu.memref_squeeze %dma_wait3A_327 : memref<1x64x128xf32, #tpu.memory_space<vmem>> -> memref<64x128xf32, #tpu.memory_space<vmem>>
      %dma_wait3A_329 = arith.constant 0 : i32
      %dma_wait3A_330 = tpu.memref_slice %arg3[%dma_wait3A_329, %multiple_of3A_118] : memref<64x100000xf32, #tpu.memory_space<hbm>> -> memref<64x128xf32, #tpu.memory_space<hbm>>
      tpu.wait_dma2 semaphore(%arg8 : memref<!tpu.dma_semaphore, #tpu.memory_space<semaphore_mem>>) src(%dma_wait3A_330 : memref<64x128xf32, #tpu.memory_space<hbm>>) dst(%dma_wait3A_328 : memref<64x128xf32, #tpu.memory_space<vmem>>)
      %dma_wait3A_331 = arith.constant 7 : i32
      %dma_wait3A_332 = arith.constant 0 : i32
      %dma_wait3A_333 = arith.constant 0 : i32
      %dma_wait3A_334 = tpu.memref_slice %arg6[%dma_wait3A_331, %dma_wait3A_332, %dma_wait3A_333] : memref<8x64x128xf32, #tpu.memory_space<vmem>> -> memref<1x64x128xf32, #tpu.memory_space<vmem>>
      %dma_wait3A_335 = tpu.memref_squeeze %dma_wait3A_334 : memref<1x64x128xf32, #tpu.memory_space<vmem>> -> memref<64x128xf32, #tpu.memory_space<vmem>>
      %dma_wait3A_336 = arith.constant 0 : i32
      %dma_wait3A_337 = tpu.memref_slice %arg3[%dma_wait3A_336, %multiple_of3A_135] : memref<64x100000xf32, #tpu.memory_space<hbm>> -> memref<64x128xf32, #tpu.memory_space<hbm>>
      %dma_wait3A_338 = arith.constant 0 : i32
      %dma_wait3A_339 = arith.constant 0 : i32
      %dma_wait3A_340 = tpu.memref_slice %arg6[%dma_wait3A_331, %dma_wait3A_338, %dma_wait3A_339] : memref<8x64x128xf32, #tpu.memory_space<vmem>> -> memref<1x64x128xf32, #tpu.memory_space<vmem>>
      %dma_wait3A_341 = tpu.memref_squeeze %dma_wait3A_340 : memref<1x64x128xf32, #tpu.memory_space<vmem>> -> memref<64x128xf32, #tpu.memory_space<vmem>>
      %dma_wait3A_342 = arith.constant 0 : i32
      %dma_wait3A_343 = tpu.memref_slice %arg3[%dma_wait3A_342, %multiple_of3A_135] : memref<64x100000xf32, #tpu.memory_space<hbm>> -> memref<64x128xf32, #tpu.memory_space<hbm>>
      tpu.wait_dma2 semaphore(%arg8 : memref<!tpu.dma_semaphore, #tpu.memory_space<semaphore_mem>>) src(%dma_wait3A_343 : memref<64x128xf32, #tpu.memory_space<hbm>>) dst(%dma_wait3A_341 : memref<64x128xf32, #tpu.memory_space<vmem>>)
      %iota3A_344 = tpu.iota {dimensions = array<i32: 0>} : vector<16xi32>
      %add3A_345 = arith.constant 0 : i32
      %add3A_346 = vector.broadcast %add3A_345 : i32 to vector<16xi32>
      %add3A_347 = arith.addi %iota3A_344, %add3A_346 : vector<16xi32>
      %broadcast_in_dim3A_348 = arith.constant 0.000000e+00 : f32
      %broadcast_in_dim3A_349 = vector.broadcast %broadcast_in_dim3A_348 : f32 to vector<16xf32>
      %broadcast_in_dim3A_350 = vector.broadcast %and3A_18 : i32 to vector<16xi32>
      %gather3A = arith.constant 0 : i32
      %gather3A_351 = arith.constant 0 : i32
      %gather3A_352 = arith.constant 0 : i32
      %gather3A_353 = tpu.memref_slice %arg6[%gather3A, %gather3A_351, %gather3A_352] : memref<8x64x128xf32, #tpu.memory_space<vmem>> -> memref<1x64x128xf32, #tpu.memory_space<vmem>>
      %gather3A_354 = tpu.memref_squeeze %gather3A_353 : memref<1x64x128xf32, #tpu.memory_space<vmem>> -> memref<64x128xf32, #tpu.memory_space<vmem>>
      %gather3A_355 = tpu.vector_load_idx %gather3A_354[%add3A_347, %broadcast_in_dim3A_350] : memref<64x128xf32, #tpu.memory_space<vmem>>[vector<16xi32>, vector<16xi32>], vector<16xf32>,
      %add3A_356 = arith.addf %broadcast_in_dim3A_349, %gather3A_355 : vector<16xf32>
      %broadcast_in_dim3A_357 = vector.broadcast %and3A_35 : i32 to vector<16xi32>
      %gather3A_358 = arith.constant 1 : i32
      %gather3A_359 = arith.constant 0 : i32
      %gather3A_360 = arith.constant 0 : i32
      %gather3A_361 = tpu.memref_slice %arg6[%gather3A_358, %gather3A_359, %gather3A_360] : memref<8x64x128xf32, #tpu.memory_space<vmem>> -> memref<1x64x128xf32, #tpu.memory_space<vmem>>
      %gather3A_362 = tpu.memref_squeeze %gather3A_361 : memref<1x64x128xf32, #tpu.memory_space<vmem>> -> memref<64x128xf32, #tpu.memory_space<vmem>>
      %gather3A_363 = tpu.vector_load_idx %gather3A_362[%add3A_347, %broadcast_in_dim3A_357] : memref<64x128xf32, #tpu.memory_space<vmem>>[vector<16xi32>, vector<16xi32>], vector<16xf32>,
      %add3A_364 = arith.addf %add3A_356, %gather3A_363 : vector<16xf32>
      %broadcast_in_dim3A_365 = vector.broadcast %and3A_52 : i32 to vector<16xi32>
      %gather3A_366 = arith.constant 2 : i32
      %gather3A_367 = arith.constant 0 : i32
      %gather3A_368 = arith.constant 0 : i32
      %gather3A_369 = tpu.memref_slice %arg6[%gather3A_366, %gather3A_367, %gather3A_368] : memref<8x64x128xf32, #tpu.memory_space<vmem>> -> memref<1x64x128xf32, #tpu.memory_space<vmem>>
      %gather3A_370 = tpu.memref_squeeze %gather3A_369 : memref<1x64x128xf32, #tpu.memory_space<vmem>> -> memref<64x128xf32, #tpu.memory_space<vmem>>
      %gather3A_371 = tpu.vector_load_idx %gather3A_370[%add3A_347, %broadcast_in_dim3A_365] : memref<64x128xf32, #tpu.memory_space<vmem>>[vector<16xi32>, vector<16xi32>], vector<16xf32>,
      %add3A_372 = arith.addf %add3A_364, %gather3A_371 : vector<16xf32>
      %broadcast_in_dim3A_373 = vector.broadcast %and3A_69 : i32 to vector<16xi32>
      %gather3A_374 = arith.constant 3 : i32
      %gather3A_375 = arith.constant 0 : i32
      %gather3A_376 = arith.constant 0 : i32
      %gather3A_377 = tpu.memref_slice %arg6[%gather3A_374, %gather3A_375, %gather3A_376] : memref<8x64x128xf32, #tpu.memory_space<vmem>> -> memref<1x64x128xf32, #tpu.memory_space<vmem>>
      %gather3A_378 = tpu.memref_squeeze %gather3A_377 : memref<1x64x128xf32, #tpu.memory_space<vmem>> -> memref<64x128xf32, #tpu.memory_space<vmem>>
      %gather3A_379 = tpu.vector_load_idx %gather3A_378[%add3A_347, %broadcast_in_dim3A_373] : memref<64x128xf32, #tpu.memory_space<vmem>>[vector<16xi32>, vector<16xi32>], vector<16xf32>,
      %add3A_380 = arith.addf %add3A_372, %gather3A_379 : vector<16xf32>
      %broadcast_in_dim3A_381 = vector.broadcast %and3A_86 : i32 to vector<16xi32>
      %gather3A_382 = arith.constant 4 : i32
      %gather3A_383 = arith.constant 0 : i32
      %gather3A_384 = arith.constant 0 : i32
      %gather3A_385 = tpu.memref_slice %arg6[%gather3A_382, %gather3A_383, %gather3A_384] : memref<8x64x128xf32, #tpu.memory_space<vmem>> -> memref<1x64x128xf32, #tpu.memory_space<vmem>>
      %gather3A_386 = tpu.memref_squeeze %gather3A_385 : memref<1x64x128xf32, #tpu.memory_space<vmem>> -> memref<64x128xf32, #tpu.memory_space<vmem>>
      %gather3A_387 = tpu.vector_load_idx %gather3A_386[%add3A_347, %broadcast_in_dim3A_381] : memref<64x128xf32, #tpu.memory_space<vmem>>[vector<16xi32>, vector<16xi32>], vector<16xf32>,
      %add3A_388 = arith.addf %add3A_380, %gather3A_387 : vector<16xf32>
      %broadcast_in_dim3A_389 = vector.broadcast %and3A_103 : i32 to vector<16xi32>
      %gather3A_390 = arith.constant 5 : i32
      %gather3A_391 = arith.constant 0 : i32
      %gather3A_392 = arith.constant 0 : i32
      %gather3A_393 = tpu.memref_slice %arg6[%gather3A_390, %gather3A_391, %gather3A_392] : memref<8x64x128xf32, #tpu.memory_space<vmem>> -> memref<1x64x128xf32, #tpu.memory_space<vmem>>
      %gather3A_394 = tpu.memref_squeeze %gather3A_393 : memref<1x64x128xf32, #tpu.memory_space<vmem>> -> memref<64x128xf32, #tpu.memory_space<vmem>>
      %gather3A_395 = tpu.vector_load_idx %gather3A_394[%add3A_347, %broadcast_in_dim3A_389] : memref<64x128xf32, #tpu.memory_space<vmem>>[vector<16xi32>, vector<16xi32>], vector<16xf32>,
      %add3A_396 = arith.addf %add3A_388, %gather3A_395 : vector<16xf32>
      %broadcast_in_dim3A_397 = vector.broadcast %and3A_120 : i32 to vector<16xi32>
      %gather3A_398 = arith.constant 6 : i32
      %gather3A_399 = arith.constant 0 : i32
      %gather3A_400 = arith.constant 0 : i32
      %gather3A_401 = tpu.memref_slice %arg6[%gather3A_398, %gather3A_399, %gather3A_400] : memref<8x64x128xf32, #tpu.memory_space<vmem>> -> memref<1x64x128xf32, #tpu.memory_space<vmem>>
      %gather3A_402 = tpu.memref_squeeze %gather3A_401 : memref<1x64x128xf32, #tpu.memory_space<vmem>> -> memref<64x128xf32, #tpu.memory_space<vmem>>
      %gather3A_403 = tpu.vector_load_idx %gather3A_402[%add3A_347, %broadcast_in_dim3A_397] : memref<64x128xf32, #tpu.memory_space<vmem>>[vector<16xi32>, vector<16xi32>], vector<16xf32>,
      %add3A_404 = arith.addf %add3A_396, %gather3A_403 : vector<16xf32>
      %broadcast_in_dim3A_405 = vector.broadcast %and3A_137 : i32 to vector<16xi32>
      %gather3A_406 = arith.constant 7 : i32
      %gather3A_407 = arith.constant 0 : i32
      %gather3A_408 = arith.constant 0 : i32
      %gather3A_409 = tpu.memref_slice %arg6[%gather3A_406, %gather3A_407, %gather3A_408] : memref<8x64x128xf32, #tpu.memory_space<vmem>> -> memref<1x64x128xf32, #tpu.memory_space<vmem>>
      %gather3A_410 = tpu.memref_squeeze %gather3A_409 : memref<1x64x128xf32, #tpu.memory_space<vmem>> -> memref<64x128xf32, #tpu.memory_space<vmem>>
      %gather3A_411 = tpu.vector_load_idx %gather3A_410[%add3A_347, %broadcast_in_dim3A_405] : memref<64x128xf32, #tpu.memory_space<vmem>>[vector<16xi32>, vector<16xi32>], vector<16xf32>,
      %add3A_412 = arith.addf %add3A_404, %gather3A_411 : vector<16xf32>
      %swap3A = arith.constant 0 : i32
      %swap3A_413 = arith.index_cast %swap3A : i32 to index
      %swap3A_414 = arith.constant 0 : index
      %swap3A_415 = tpu.vector_load %arg7[%swap3A_413, %swap3A_414] {strides = array<i32>} : memref<1x64xf32, #tpu.memory_space<vmem>>, vector<16xf32>,
      tpu.vector_store %arg7[%swap3A_413, %swap3A_414], %add3A_412 {strides = array<i32>} : memref<1x64xf32, #tpu.memory_space<vmem>>, vector<16xf32>,
      %iota3A_416 = tpu.iota {dimensions = array<i32: 0>} : vector<16xi32>
      %add3A_417 = arith.constant 16 : i32
      %add3A_418 = vector.broadcast %add3A_417 : i32 to vector<16xi32>
      %add3A_419 = arith.addi %iota3A_416, %add3A_418 : vector<16xi32>
      %broadcast_in_dim3A_420 = arith.constant 0.000000e+00 : f32
      %broadcast_in_dim3A_421 = vector.broadcast %broadcast_in_dim3A_420 : f32 to vector<16xf32>
      %broadcast_in_dim3A_422 = vector.broadcast %and3A_18 : i32 to vector<16xi32>
      %gather3A_423 = arith.constant 0 : i32
      %gather3A_424 = arith.constant 0 : i32
      %gather3A_425 = arith.constant 0 : i32
      %gather3A_426 = tpu.memref_slice %arg6[%gather3A_423, %gather3A_424, %gather3A_425] : memref<8x64x128xf32, #tpu.memory_space<vmem>> -> memref<1x64x128xf32, #tpu.memory_space<vmem>>
      %gather3A_427 = tpu.memref_squeeze %gather3A_426 : memref<1x64x128xf32, #tpu.memory_space<vmem>> -> memref<64x128xf32, #tpu.memory_space<vmem>>
      %gather3A_428 = tpu.vector_load_idx %gather3A_427[%add3A_419, %broadcast_in_dim3A_422] : memref<64x128xf32, #tpu.memory_space<vmem>>[vector<16xi32>, vector<16xi32>], vector<16xf32>,
      %add3A_429 = arith.addf %broadcast_in_dim3A_421, %gather3A_428 : vector<16xf32>
      %broadcast_in_dim3A_430 = vector.broadcast %and3A_35 : i32 to vector<16xi32>
      %gather3A_431 = arith.constant 1 : i32
      %gather3A_432 = arith.constant 0 : i32
      %gather3A_433 = arith.constant 0 : i32
      %gather3A_434 = tpu.memref_slice %arg6[%gather3A_431, %gather3A_432, %gather3A_433] : memref<8x64x128xf32, #tpu.memory_space<vmem>> -> memref<1x64x128xf32, #tpu.memory_space<vmem>>
      %gather3A_435 = tpu.memref_squeeze %gather3A_434 : memref<1x64x128xf32, #tpu.memory_space<vmem>> -> memref<64x128xf32, #tpu.memory_space<vmem>>
      %gather3A_436 = tpu.vector_load_idx %gather3A_435[%add3A_419, %broadcast_in_dim3A_430] : memref<64x128xf32, #tpu.memory_space<vmem>>[vector<16xi32>, vector<16xi32>], vector<16xf32>,
      %add3A_437 = arith.addf %add3A_429, %gather3A_436 : vector<16xf32>
      %broadcast_in_dim3A_438 = vector.broadcast %and3A_52 : i32 to vector<16xi32>
      %gather3A_439 = arith.constant 2 : i32
      %gather3A_440 = arith.constant 0 : i32
      %gather3A_441 = arith.constant 0 : i32
      %gather3A_442 = tpu.memref_slice %arg6[%gather3A_439, %gather3A_440, %gather3A_441] : memref<8x64x128xf32, #tpu.memory_space<vmem>> -> memref<1x64x128xf32, #tpu.memory_space<vmem>>
      %gather3A_443 = tpu.memref_squeeze %gather3A_442 : memref<1x64x128xf32, #tpu.memory_space<vmem>> -> memref<64x128xf32, #tpu.memory_space<vmem>>
      %gather3A_444 = tpu.vector_load_idx %gather3A_443[%add3A_419, %broadcast_in_dim3A_438] : memref<64x128xf32, #tpu.memory_space<vmem>>[vector<16xi32>, vector<16xi32>], vector<16xf32>,
      %add3A_445 = arith.addf %add3A_437, %gather3A_444 : vector<16xf32>
      %broadcast_in_dim3A_446 = vector.broadcast %and3A_69 : i32 to vector<16xi32>
      %gather3A_447 = arith.constant 3 : i32
      %gather3A_448 = arith.constant 0 : i32
      %gather3A_449 = arith.constant 0 : i32
      %gather3A_450 = tpu.memref_slice %arg6[%gather3A_447, %gather3A_448, %gather3A_449] : memref<8x64x128xf32, #tpu.memory_space<vmem>> -> memref<1x64x128xf32, #tpu.memory_space<vmem>>
      %gather3A_451 = tpu.memref_squeeze %gather3A_450 : memref<1x64x128xf32, #tpu.memory_space<vmem>> -> memref<64x128xf32, #tpu.memory_space<vmem>>
      %gather3A_452 = tpu.vector_load_idx %gather3A_451[%add3A_419, %broadcast_in_dim3A_446] : memref<64x128xf32, #tpu.memory_space<vmem>>[vector<16xi32>, vector<16xi32>], vector<16xf32>,
      %add3A_453 = arith.addf %add3A_445, %gather3A_452 : vector<16xf32>
      %broadcast_in_dim3A_454 = vector.broadcast %and3A_86 : i32 to vector<16xi32>
      %gather3A_455 = arith.constant 4 : i32
      %gather3A_456 = arith.constant 0 : i32
      %gather3A_457 = arith.constant 0 : i32
      %gather3A_458 = tpu.memref_slice %arg6[%gather3A_455, %gather3A_456, %gather3A_457] : memref<8x64x128xf32, #tpu.memory_space<vmem>> -> memref<1x64x128xf32, #tpu.memory_space<vmem>>
      %gather3A_459 = tpu.memref_squeeze %gather3A_458 : memref<1x64x128xf32, #tpu.memory_space<vmem>> -> memref<64x128xf32, #tpu.memory_space<vmem>>
      %gather3A_460 = tpu.vector_load_idx %gather3A_459[%add3A_419, %broadcast_in_dim3A_454] : memref<64x128xf32, #tpu.memory_space<vmem>>[vector<16xi32>, vector<16xi32>], vector<16xf32>,
      %add3A_461 = arith.addf %add3A_453, %gather3A_460 : vector<16xf32>
      %broadcast_in_dim3A_462 = vector.broadcast %and3A_103 : i32 to vector<16xi32>
      %gather3A_463 = arith.constant 5 : i32
      %gather3A_464 = arith.constant 0 : i32
      %gather3A_465 = arith.constant 0 : i32
      %gather3A_466 = tpu.memref_slice %arg6[%gather3A_463, %gather3A_464, %gather3A_465] : memref<8x64x128xf32, #tpu.memory_space<vmem>> -> memref<1x64x128xf32, #tpu.memory_space<vmem>>
      %gather3A_467 = tpu.memref_squeeze %gather3A_466 : memref<1x64x128xf32, #tpu.memory_space<vmem>> -> memref<64x128xf32, #tpu.memory_space<vmem>>
      %gather3A_468 = tpu.vector_load_idx %gather3A_467[%add3A_419, %broadcast_in_dim3A_462] : memref<64x128xf32, #tpu.memory_space<vmem>>[vector<16xi32>, vector<16xi32>], vector<16xf32>,
      %add3A_469 = arith.addf %add3A_461, %gather3A_468 : vector<16xf32>
      %broadcast_in_dim3A_470 = vector.broadcast %and3A_120 : i32 to vector<16xi32>
      %gather3A_471 = arith.constant 6 : i32
      %gather3A_472 = arith.constant 0 : i32
      %gather3A_473 = arith.constant 0 : i32
      %gather3A_474 = tpu.memref_slice %arg6[%gather3A_471, %gather3A_472, %gather3A_473] : memref<8x64x128xf32, #tpu.memory_space<vmem>> -> memref<1x64x128xf32, #tpu.memory_space<vmem>>
      %gather3A_475 = tpu.memref_squeeze %gather3A_474 : memref<1x64x128xf32, #tpu.memory_space<vmem>> -> memref<64x128xf32, #tpu.memory_space<vmem>>
      %gather3A_476 = tpu.vector_load_idx %gather3A_475[%add3A_419, %broadcast_in_dim3A_470] : memref<64x128xf32, #tpu.memory_space<vmem>>[vector<16xi32>, vector<16xi32>], vector<16xf32>,
      %add3A_477 = arith.addf %add3A_469, %gather3A_476 : vector<16xf32>
      %broadcast_in_dim3A_478 = vector.broadcast %and3A_137 : i32 to vector<16xi32>
      %gather3A_479 = arith.constant 7 : i32
      %gather3A_480 = arith.constant 0 : i32
      %gather3A_481 = arith.constant 0 : i32
      %gather3A_482 = tpu.memref_slice %arg6[%gather3A_479, %gather3A_480, %gather3A_481] : memref<8x64x128xf32, #tpu.memory_space<vmem>> -> memref<1x64x128xf32, #tpu.memory_space<vmem>>
      %gather3A_483 = tpu.memref_squeeze %gather3A_482 : memref<1x64x128xf32, #tpu.memory_space<vmem>> -> memref<64x128xf32, #tpu.memory_space<vmem>>
      %gather3A_484 = tpu.vector_load_idx %gather3A_483[%add3A_419, %broadcast_in_dim3A_478] : memref<64x128xf32, #tpu.memory_space<vmem>>[vector<16xi32>, vector<16xi32>], vector<16xf32>,
      %add3A_485 = arith.addf %add3A_477, %gather3A_484 : vector<16xf32>
      %swap3A_486 = arith.constant 0 : i32
      %swap3A_487 = arith.index_cast %swap3A_486 : i32 to index
      %swap3A_488 = arith.constant 16 : index
      %swap3A_489 = tpu.vector_load %arg7[%swap3A_487, %swap3A_488] {strides = array<i32>} : memref<1x64xf32, #tpu.memory_space<vmem>>, vector<16xf32>,
      tpu.vector_store %arg7[%swap3A_487, %swap3A_488], %add3A_485 {strides = array<i32>} : memref<1x64xf32, #tpu.memory_space<vmem>>, vector<16xf32>,
      %iota3A_490 = tpu.iota {dimensions = array<i32: 0>} : vector<16xi32>
      %add3A_491 = arith.constant 32 : i32
      %add3A_492 = vector.broadcast %add3A_491 : i32 to vector<16xi32>
      %add3A_493 = arith.addi %iota3A_490, %add3A_492 : vector<16xi32>
      %broadcast_in_dim3A_494 = arith.constant 0.000000e+00 : f32
      %broadcast_in_dim3A_495 = vector.broadcast %broadcast_in_dim3A_494 : f32 to vector<16xf32>
      %broadcast_in_dim3A_496 = vector.broadcast %and3A_18 : i32 to vector<16xi32>
      %gather3A_497 = arith.constant 0 : i32
      %gather3A_498 = arith.constant 0 : i32
      %gather3A_499 = arith.constant 0 : i32
      %gather3A_500 = tpu.memref_slice %arg6[%gather3A_497, %gather3A_498, %gather3A_499] : memref<8x64x128xf32, #tpu.memory_space<vmem>> -> memref<1x64x128xf32, #tpu.memory_space<vmem>>
      %gather3A_501 = tpu.memref_squeeze %gather3A_500 : memref<1x64x128xf32, #tpu.memory_space<vmem>> -> memref<64x128xf32, #tpu.memory_space<vmem>>
      %gather3A_502 = tpu.vector_load_idx %gather3A_501[%add3A_493, %broadcast_in_dim3A_496] : memref<64x128xf32, #tpu.memory_space<vmem>>[vector<16xi32>, vector<16xi32>], vector<16xf32>,
      %add3A_503 = arith.addf %broadcast_in_dim3A_495, %gather3A_502 : vector<16xf32>
      %broadcast_in_dim3A_504 = vector.broadcast %and3A_35 : i32 to vector<16xi32>
      %gather3A_505 = arith.constant 1 : i32
      %gather3A_506 = arith.constant 0 : i32
      %gather3A_507 = arith.constant 0 : i32
      %gather3A_508 = tpu.memref_slice %arg6[%gather3A_505, %gather3A_506, %gather3A_507] : memref<8x64x128xf32, #tpu.memory_space<vmem>> -> memref<1x64x128xf32, #tpu.memory_space<vmem>>
      %gather3A_509 = tpu.memref_squeeze %gather3A_508 : memref<1x64x128xf32, #tpu.memory_space<vmem>> -> memref<64x128xf32, #tpu.memory_space<vmem>>
      %gather3A_510 = tpu.vector_load_idx %gather3A_509[%add3A_493, %broadcast_in_dim3A_504] : memref<64x128xf32, #tpu.memory_space<vmem>>[vector<16xi32>, vector<16xi32>], vector<16xf32>,
      %add3A_511 = arith.addf %add3A_503, %gather3A_510 : vector<16xf32>
      %broadcast_in_dim3A_512 = vector.broadcast %and3A_52 : i32 to vector<16xi32>
      %gather3A_513 = arith.constant 2 : i32
      %gather3A_514 = arith.constant 0 : i32
      %gather3A_515 = arith.constant 0 : i32
      %gather3A_516 = tpu.memref_slice %arg6[%gather3A_513, %gather3A_514, %gather3A_515] : memref<8x64x128xf32, #tpu.memory_space<vmem>> -> memref<1x64x128xf32, #tpu.memory_space<vmem>>
      %gather3A_517 = tpu.memref_squeeze %gather3A_516 : memref<1x64x128xf32, #tpu.memory_space<vmem>> -> memref<64x128xf32, #tpu.memory_space<vmem>>
      %gather3A_518 = tpu.vector_load_idx %gather3A_517[%add3A_493, %broadcast_in_dim3A_512] : memref<64x128xf32, #tpu.memory_space<vmem>>[vector<16xi32>, vector<16xi32>], vector<16xf32>,
      %add3A_519 = arith.addf %add3A_511, %gather3A_518 : vector<16xf32>
      %broadcast_in_dim3A_520 = vector.broadcast %and3A_69 : i32 to vector<16xi32>
      %gather3A_521 = arith.constant 3 : i32
      %gather3A_522 = arith.constant 0 : i32
      %gather3A_523 = arith.constant 0 : i32
      %gather3A_524 = tpu.memref_slice %arg6[%gather3A_521, %gather3A_522, %gather3A_523] : memref<8x64x128xf32, #tpu.memory_space<vmem>> -> memref<1x64x128xf32, #tpu.memory_space<vmem>>
      %gather3A_525 = tpu.memref_squeeze %gather3A_524 : memref<1x64x128xf32, #tpu.memory_space<vmem>> -> memref<64x128xf32, #tpu.memory_space<vmem>>
      %gather3A_526 = tpu.vector_load_idx %gather3A_525[%add3A_493, %broadcast_in_dim3A_520] : memref<64x128xf32, #tpu.memory_space<vmem>>[vector<16xi32>, vector<16xi32>], vector<16xf32>,
      %add3A_527 = arith.addf %add3A_519, %gather3A_526 : vector<16xf32>
      %broadcast_in_dim3A_528 = vector.broadcast %and3A_86 : i32 to vector<16xi32>
      %gather3A_529 = arith.constant 4 : i32
      %gather3A_530 = arith.constant 0 : i32
      %gather3A_531 = arith.constant 0 : i32
      %gather3A_532 = tpu.memref_slice %arg6[%gather3A_529, %gather3A_530, %gather3A_531] : memref<8x64x128xf32, #tpu.memory_space<vmem>> -> memref<1x64x128xf32, #tpu.memory_space<vmem>>
      %gather3A_533 = tpu.memref_squeeze %gather3A_532 : memref<1x64x128xf32, #tpu.memory_space<vmem>> -> memref<64x128xf32, #tpu.memory_space<vmem>>
      %gather3A_534 = tpu.vector_load_idx %gather3A_533[%add3A_493, %broadcast_in_dim3A_528] : memref<64x128xf32, #tpu.memory_space<vmem>>[vector<16xi32>, vector<16xi32>], vector<16xf32>,
      %add3A_535 = arith.addf %add3A_527, %gather3A_534 : vector<16xf32>
      %broadcast_in_dim3A_536 = vector.broadcast %and3A_103 : i32 to vector<16xi32>
      %gather3A_537 = arith.constant 5 : i32
      %gather3A_538 = arith.constant 0 : i32
      %gather3A_539 = arith.constant 0 : i32
      %gather3A_540 = tpu.memref_slice %arg6[%gather3A_537, %gather3A_538, %gather3A_539] : memref<8x64x128xf32, #tpu.memory_space<vmem>> -> memref<1x64x128xf32, #tpu.memory_space<vmem>>
      %gather3A_541 = tpu.memref_squeeze %gather3A_540 : memref<1x64x128xf32, #tpu.memory_space<vmem>> -> memref<64x128xf32, #tpu.memory_space<vmem>>
      %gather3A_542 = tpu.vector_load_idx %gather3A_541[%add3A_493, %broadcast_in_dim3A_536] : memref<64x128xf32, #tpu.memory_space<vmem>>[vector<16xi32>, vector<16xi32>], vector<16xf32>,
      %add3A_543 = arith.addf %add3A_535, %gather3A_542 : vector<16xf32>
      %broadcast_in_dim3A_544 = vector.broadcast %and3A_120 : i32 to vector<16xi32>
      %gather3A_545 = arith.constant 6 : i32
      %gather3A_546 = arith.constant 0 : i32
      %gather3A_547 = arith.constant 0 : i32
      %gather3A_548 = tpu.memref_slice %arg6[%gather3A_545, %gather3A_546, %gather3A_547] : memref<8x64x128xf32, #tpu.memory_space<vmem>> -> memref<1x64x128xf32, #tpu.memory_space<vmem>>
      %gather3A_549 = tpu.memref_squeeze %gather3A_548 : memref<1x64x128xf32, #tpu.memory_space<vmem>> -> memref<64x128xf32, #tpu.memory_space<vmem>>
      %gather3A_550 = tpu.vector_load_idx %gather3A_549[%add3A_493, %broadcast_in_dim3A_544] : memref<64x128xf32, #tpu.memory_space<vmem>>[vector<16xi32>, vector<16xi32>], vector<16xf32>,
      %add3A_551 = arith.addf %add3A_543, %gather3A_550 : vector<16xf32>
      %broadcast_in_dim3A_552 = vector.broadcast %and3A_137 : i32 to vector<16xi32>
      %gather3A_553 = arith.constant 7 : i32
      %gather3A_554 = arith.constant 0 : i32
      %gather3A_555 = arith.constant 0 : i32
      %gather3A_556 = tpu.memref_slice %arg6[%gather3A_553, %gather3A_554, %gather3A_555] : memref<8x64x128xf32, #tpu.memory_space<vmem>> -> memref<1x64x128xf32, #tpu.memory_space<vmem>>
      %gather3A_557 = tpu.memref_squeeze %gather3A_556 : memref<1x64x128xf32, #tpu.memory_space<vmem>> -> memref<64x128xf32, #tpu.memory_space<vmem>>
      %gather3A_558 = tpu.vector_load_idx %gather3A_557[%add3A_493, %broadcast_in_dim3A_552] : memref<64x128xf32, #tpu.memory_space<vmem>>[vector<16xi32>, vector<16xi32>], vector<16xf32>,
      %add3A_559 = arith.addf %add3A_551, %gather3A_558 : vector<16xf32>
      %swap3A_560 = arith.constant 0 : i32
      %swap3A_561 = arith.index_cast %swap3A_560 : i32 to index
      %swap3A_562 = arith.constant 32 : index
      %swap3A_563 = tpu.vector_load %arg7[%swap3A_561, %swap3A_562] {strides = array<i32>} : memref<1x64xf32, #tpu.memory_space<vmem>>, vector<16xf32>,
      tpu.vector_store %arg7[%swap3A_561, %swap3A_562], %add3A_559 {strides = array<i32>} : memref<1x64xf32, #tpu.memory_space<vmem>>, vector<16xf32>,
      %iota3A_564 = tpu.iota {dimensions = array<i32: 0>} : vector<16xi32>
      %add3A_565 = arith.constant 48 : i32
      %add3A_566 = vector.broadcast %add3A_565 : i32 to vector<16xi32>
      %add3A_567 = arith.addi %iota3A_564, %add3A_566 : vector<16xi32>
      %broadcast_in_dim3A_568 = arith.constant 0.000000e+00 : f32
      %broadcast_in_dim3A_569 = vector.broadcast %broadcast_in_dim3A_568 : f32 to vector<16xf32>
      %broadcast_in_dim3A_570 = vector.broadcast %and3A_18 : i32 to vector<16xi32>
      %gather3A_571 = arith.constant 0 : i32
      %gather3A_572 = arith.constant 0 : i32
      %gather3A_573 = arith.constant 0 : i32
      %gather3A_574 = tpu.memref_slice %arg6[%gather3A_571, %gather3A_572, %gather3A_573] : memref<8x64x128xf32, #tpu.memory_space<vmem>> -> memref<1x64x128xf32, #tpu.memory_space<vmem>>
      %gather3A_575 = tpu.memref_squeeze %gather3A_574 : memref<1x64x128xf32, #tpu.memory_space<vmem>> -> memref<64x128xf32, #tpu.memory_space<vmem>>
      %gather3A_576 = tpu.vector_load_idx %gather3A_575[%add3A_567, %broadcast_in_dim3A_570] : memref<64x128xf32, #tpu.memory_space<vmem>>[vector<16xi32>, vector<16xi32>], vector<16xf32>,
      %add3A_577 = arith.addf %broadcast_in_dim3A_569, %gather3A_576 : vector<16xf32>
      %broadcast_in_dim3A_578 = vector.broadcast %and3A_35 : i32 to vector<16xi32>
      %gather3A_579 = arith.constant 1 : i32
      %gather3A_580 = arith.constant 0 : i32
      %gather3A_581 = arith.constant 0 : i32
      %gather3A_582 = tpu.memref_slice %arg6[%gather3A_579, %gather3A_580, %gather3A_581] : memref<8x64x128xf32, #tpu.memory_space<vmem>> -> memref<1x64x128xf32, #tpu.memory_space<vmem>>
      %gather3A_583 = tpu.memref_squeeze %gather3A_582 : memref<1x64x128xf32, #tpu.memory_space<vmem>> -> memref<64x128xf32, #tpu.memory_space<vmem>>
      %gather3A_584 = tpu.vector_load_idx %gather3A_583[%add3A_567, %broadcast_in_dim3A_578] : memref<64x128xf32, #tpu.memory_space<vmem>>[vector<16xi32>, vector<16xi32>], vector<16xf32>,
      %add3A_585 = arith.addf %add3A_577, %gather3A_584 : vector<16xf32>
      %broadcast_in_dim3A_586 = vector.broadcast %and3A_52 : i32 to vector<16xi32>
      %gather3A_587 = arith.constant 2 : i32
      %gather3A_588 = arith.constant 0 : i32
      %gather3A_589 = arith.constant 0 : i32
      %gather3A_590 = tpu.memref_slice %arg6[%gather3A_587, %gather3A_588, %gather3A_589] : memref<8x64x128xf32, #tpu.memory_space<vmem>> -> memref<1x64x128xf32, #tpu.memory_space<vmem>>
      %gather3A_591 = tpu.memref_squeeze %gather3A_590 : memref<1x64x128xf32, #tpu.memory_space<vmem>> -> memref<64x128xf32, #tpu.memory_space<vmem>>
      %gather3A_592 = tpu.vector_load_idx %gather3A_591[%add3A_567, %broadcast_in_dim3A_586] : memref<64x128xf32, #tpu.memory_space<vmem>>[vector<16xi32>, vector<16xi32>], vector<16xf32>,
      %add3A_593 = arith.addf %add3A_585, %gather3A_592 : vector<16xf32>
      %broadcast_in_dim3A_594 = vector.broadcast %and3A_69 : i32 to vector<16xi32>
      %gather3A_595 = arith.constant 3 : i32
      %gather3A_596 = arith.constant 0 : i32
      %gather3A_597 = arith.constant 0 : i32
      %gather3A_598 = tpu.memref_slice %arg6[%gather3A_595, %gather3A_596, %gather3A_597] : memref<8x64x128xf32, #tpu.memory_space<vmem>> -> memref<1x64x128xf32, #tpu.memory_space<vmem>>
      %gather3A_599 = tpu.memref_squeeze %gather3A_598 : memref<1x64x128xf32, #tpu.memory_space<vmem>> -> memref<64x128xf32, #tpu.memory_space<vmem>>
      %gather3A_600 = tpu.vector_load_idx %gather3A_599[%add3A_567, %broadcast_in_dim3A_594] : memref<64x128xf32, #tpu.memory_space<vmem>>[vector<16xi32>, vector<16xi32>], vector<16xf32>,
      %add3A_601 = arith.addf %add3A_593, %gather3A_600 : vector<16xf32>
      %broadcast_in_dim3A_602 = vector.broadcast %and3A_86 : i32 to vector<16xi32>
      %gather3A_603 = arith.constant 4 : i32
      %gather3A_604 = arith.constant 0 : i32
      %gather3A_605 = arith.constant 0 : i32
      %gather3A_606 = tpu.memref_slice %arg6[%gather3A_603, %gather3A_604, %gather3A_605] : memref<8x64x128xf32, #tpu.memory_space<vmem>> -> memref<1x64x128xf32, #tpu.memory_space<vmem>>
      %gather3A_607 = tpu.memref_squeeze %gather3A_606 : memref<1x64x128xf32, #tpu.memory_space<vmem>> -> memref<64x128xf32, #tpu.memory_space<vmem>>
      %gather3A_608 = tpu.vector_load_idx %gather3A_607[%add3A_567, %broadcast_in_dim3A_602] : memref<64x128xf32, #tpu.memory_space<vmem>>[vector<16xi32>, vector<16xi32>], vector<16xf32>,
      %add3A_609 = arith.addf %add3A_601, %gather3A_608 : vector<16xf32>
      %broadcast_in_dim3A_610 = vector.broadcast %and3A_103 : i32 to vector<16xi32>
      %gather3A_611 = arith.constant 5 : i32
      %gather3A_612 = arith.constant 0 : i32
      %gather3A_613 = arith.constant 0 : i32
      %gather3A_614 = tpu.memref_slice %arg6[%gather3A_611, %gather3A_612, %gather3A_613] : memref<8x64x128xf32, #tpu.memory_space<vmem>> -> memref<1x64x128xf32, #tpu.memory_space<vmem>>
      %gather3A_615 = tpu.memref_squeeze %gather3A_614 : memref<1x64x128xf32, #tpu.memory_space<vmem>> -> memref<64x128xf32, #tpu.memory_space<vmem>>
      %gather3A_616 = tpu.vector_load_idx %gather3A_615[%add3A_567, %broadcast_in_dim3A_610] : memref<64x128xf32, #tpu.memory_space<vmem>>[vector<16xi32>, vector<16xi32>], vector<16xf32>,
      %add3A_617 = arith.addf %add3A_609, %gather3A_616 : vector<16xf32>
      %broadcast_in_dim3A_618 = vector.broadcast %and3A_120 : i32 to vector<16xi32>
      %gather3A_619 = arith.constant 6 : i32
      %gather3A_620 = arith.constant 0 : i32
      %gather3A_621 = arith.constant 0 : i32
      %gather3A_622 = tpu.memref_slice %arg6[%gather3A_619, %gather3A_620, %gather3A_621] : memref<8x64x128xf32, #tpu.memory_space<vmem>> -> memref<1x64x128xf32, #tpu.memory_space<vmem>>
      %gather3A_623 = tpu.memref_squeeze %gather3A_622 : memref<1x64x128xf32, #tpu.memory_space<vmem>> -> memref<64x128xf32, #tpu.memory_space<vmem>>
      %gather3A_624 = tpu.vector_load_idx %gather3A_623[%add3A_567, %broadcast_in_dim3A_618] : memref<64x128xf32, #tpu.memory_space<vmem>>[vector<16xi32>, vector<16xi32>], vector<16xf32>,
      %add3A_625 = arith.addf %add3A_617, %gather3A_624 : vector<16xf32>
      %broadcast_in_dim3A_626 = vector.broadcast %and3A_137 : i32 to vector<16xi32>
      %gather3A_627 = arith.constant 7 : i32
      %gather3A_628 = arith.constant 0 : i32
      %gather3A_629 = arith.constant 0 : i32
      %gather3A_630 = tpu.memref_slice %arg6[%gather3A_627, %gather3A_628, %gather3A_629] : memref<8x64x128xf32, #tpu.memory_space<vmem>> -> memref<1x64x128xf32, #tpu.memory_space<vmem>>
      %gather3A_631 = tpu.memref_squeeze %gather3A_630 : memref<1x64x128xf32, #tpu.memory_space<vmem>> -> memref<64x128xf32, #tpu.memory_space<vmem>>
      %gather3A_632 = tpu.vector_load_idx %gather3A_631[%add3A_567, %broadcast_in_dim3A_626] : memref<64x128xf32, #tpu.memory_space<vmem>>[vector<16xi32>, vector<16xi32>], vector<16xf32>,
      %add3A_633 = arith.addf %add3A_625, %gather3A_632 : vector<16xf32>
      %swap3A_634 = arith.constant 0 : i32
      %swap3A_635 = arith.index_cast %swap3A_634 : i32 to index
      %swap3A_636 = arith.constant 48 : index
      %swap3A_637 = tpu.vector_load %arg7[%swap3A_635, %swap3A_636] {strides = array<i32>} : memref<1x64xf32, #tpu.memory_space<vmem>>, vector<16xf32>,
      tpu.vector_store %arg7[%swap3A_635, %swap3A_636], %add3A_633 {strides = array<i32>} : memref<1x64xf32, #tpu.memory_space<vmem>>, vector<16xf32>,
    } else {
    }
    %ge3A = arith.constant 25 : i32
    %ge3A_3 = arith.cmpi sge, %add3A, %ge3A : i32
    %convert_element_type3A_4 = arith.extui %ge3A_3 : i1 to i32
    %cond3A_5 = arith.constant 0 : i32
    %cond3A_6 = arith.cmpi ne, %convert_element_type3A_4, %cond3A_5 : i32
    scf.if %cond3A_6 {
      %broadcast_in_dim3A = arith.constant 0.000000e+00 : f32
      %broadcast_in_dim3A_7 = vector.broadcast %broadcast_in_dim3A : f32 to vector<16xf32>
      %swap3A = arith.constant 0 : i32
      %swap3A_8 = arith.index_cast %swap3A : i32 to index
      %swap3A_9 = arith.constant 0 : index
      %swap3A_10 = tpu.vector_load %arg7[%swap3A_8, %swap3A_9] {strides = array<i32>} : memref<1x64xf32, #tpu.memory_space<vmem>>, vector<16xf32>,
      tpu.vector_store %arg7[%swap3A_8, %swap3A_9], %broadcast_in_dim3A_7 {strides = array<i32>} : memref<1x64xf32, #tpu.memory_space<vmem>>, vector<16xf32>,
      %broadcast_in_dim3A_11 = arith.constant 0.000000e+00 : f32
      %broadcast_in_dim3A_12 = vector.broadcast %broadcast_in_dim3A_11 : f32 to vector<16xf32>
      %swap3A_13 = arith.constant 0 : i32
      %swap3A_14 = arith.index_cast %swap3A_13 : i32 to index
      %swap3A_15 = arith.constant 16 : index
      %swap3A_16 = tpu.vector_load %arg7[%swap3A_14, %swap3A_15] {strides = array<i32>} : memref<1x64xf32, #tpu.memory_space<vmem>>, vector<16xf32>,
      tpu.vector_store %arg7[%swap3A_14, %swap3A_15], %broadcast_in_dim3A_12 {strides = array<i32>} : memref<1x64xf32, #tpu.memory_space<vmem>>, vector<16xf32>,
      %broadcast_in_dim3A_17 = arith.constant 0.000000e+00 : f32
      %broadcast_in_dim3A_18 = vector.broadcast %broadcast_in_dim3A_17 : f32 to vector<16xf32>
      %swap3A_19 = arith.constant 0 : i32
      %swap3A_20 = arith.index_cast %swap3A_19 : i32 to index
      %swap3A_21 = arith.constant 32 : index
      %swap3A_22 = tpu.vector_load %arg7[%swap3A_20, %swap3A_21] {strides = array<i32>} : memref<1x64xf32, #tpu.memory_space<vmem>>, vector<16xf32>,
      tpu.vector_store %arg7[%swap3A_20, %swap3A_21], %broadcast_in_dim3A_18 {strides = array<i32>} : memref<1x64xf32, #tpu.memory_space<vmem>>, vector<16xf32>,
      %broadcast_in_dim3A_23 = arith.constant 0.000000e+00 : f32
      %broadcast_in_dim3A_24 = vector.broadcast %broadcast_in_dim3A_23 : f32 to vector<16xf32>
      %swap3A_25 = arith.constant 0 : i32
      %swap3A_26 = arith.index_cast %swap3A_25 : i32 to index
      %swap3A_27 = arith.constant 48 : index
      %swap3A_28 = tpu.vector_load %arg7[%swap3A_26, %swap3A_27] {strides = array<i32>} : memref<1x64xf32, #tpu.memory_space<vmem>>, vector<16xf32>,
      tpu.vector_store %arg7[%swap3A_26, %swap3A_27], %broadcast_in_dim3A_24 {strides = array<i32>} : memref<1x64xf32, #tpu.memory_space<vmem>>, vector<16xf32>,
    } else {
    }
    "tpu.region"() ({
      %run_scoped3A = tpu.sem_alloc : memref<!tpu.dma_semaphore, #tpu.memory_space<semaphore_mem>>
      %dma_start3A = arith.constant 0 : i32
      %dma_start3A_7 = tpu.memref_slice %arg4[%add3A, %dma_start3A] : memref<32x64xf32, #tpu.memory_space<hbm>> -> memref<1x64xf32, #tpu.memory_space<hbm>>
      %dma_start3A_8 = arith.constant 0 : i32
      %dma_start3A_9 = tpu.memref_slice %arg4[%add3A, %dma_start3A_8] : memref<32x64xf32, #tpu.memory_space<hbm>> -> memref<1x64xf32, #tpu.memory_space<hbm>>
      tpu.enqueue_dma source(%arg7 : memref<1x64xf32, #tpu.memory_space<vmem>>) target(%dma_start3A_9 : memref<1x64xf32, #tpu.memory_space<hbm>>) target_semaphore(%run_scoped3A : memref<!tpu.dma_semaphore, #tpu.memory_space<semaphore_mem>>)
      %dma_wait3A = arith.constant 0 : i32
      %dma_wait3A_10 = tpu.memref_slice %arg4[%add3A, %dma_wait3A] : memref<32x64xf32, #tpu.memory_space<hbm>> -> memref<1x64xf32, #tpu.memory_space<hbm>>
      %dma_wait3A_11 = arith.constant 0 : i32
      %dma_wait3A_12 = tpu.memref_slice %arg4[%add3A, %dma_wait3A_11] : memref<32x64xf32, #tpu.memory_space<hbm>> -> memref<1x64xf32, #tpu.memory_space<hbm>>
      tpu.wait_dma2 semaphore(%run_scoped3A : memref<!tpu.dma_semaphore, #tpu.memory_space<semaphore_mem>>) src(%arg7 : memref<1x64xf32, #tpu.memory_space<vmem>>) dst(%dma_wait3A_12 : memref<1x64xf32, #tpu.memory_space<hbm>>)
      tpu.yield
    }) : () -> ()
    return
  }
}

module attributes {stable_mosaic.version = 14 : i64} {
  func.func @_tc_logsoftmax(%arg0: memref<1x100000xf32, #tpu.memory_space<vmem>>, %arg1: memref<1x100000xf32, #tpu.memory_space<vmem>>) attributes {dimension_semantics = [], scalar_prefetch = 0 : i64, scratch_operands = 0 : i64, tpu.core_type = #tpu.core_type<tc>} {
    %get3A = arith.constant 0 : index
    %get3A_0 = arith.constant 0 : index
    %get3A_1 = vector.load %arg0[%get3A, %get3A_0] : memref<1x100000xf32, #tpu.memory_space<vmem>>, vector<1x100000xf32>
    %reduce_max3A = vector.shape_cast %get3A_1 : vector<1x100000xf32> to vector<1x1x100000xf32>
    %reduce_max3A_2 = arith.constant dense<0xFF800000> : vector<1xf32>
    %reduce_max3A_3 = vector.multi_reduction <maximumf>, %reduce_max3A, %reduce_max3A_2 [1, 2] : vector<1x1x100000xf32> to vector<1xf32>
    %reduce_max3A_4 = vector.shape_cast %reduce_max3A_3 : vector<1xf32> to vector<1x1x1xf32>
    %reduce_max3A_5 = vector.extract %reduce_max3A_4[0, 0, 0] : f32 from vector<1x1x1xf32>
    %sub3A = vector.broadcast %reduce_max3A_5 : f32 to vector<1x100000xf32>
    %sub3A_6 = arith.subf %get3A_1, %sub3A : vector<1x100000xf32>
    %exp3A = math.exp %sub3A_6 : vector<1x100000xf32>
    %reduce_sum3A = vector.shape_cast %exp3A : vector<1x100000xf32> to vector<1x1x100000xf32>
    %reduce_sum3A_7 = arith.constant dense<0.000000e+00> : vector<1xf32>
    %reduce_sum3A_8 = vector.multi_reduction <add>, %reduce_sum3A, %reduce_sum3A_7 [1, 2] : vector<1x1x100000xf32> to vector<1xf32>
    %reduce_sum3A_9 = vector.shape_cast %reduce_sum3A_8 : vector<1xf32> to vector<1x1x1xf32>
    %reduce_sum3A_10 = vector.extract %reduce_sum3A_9[0, 0, 0] : f32 from vector<1x1x1xf32>
    %log3A = math.log %reduce_sum3A_10 : f32
    %add3A = arith.addf %reduce_max3A_5, %log3A : f32
    %sub3A_11 = vector.broadcast %add3A : f32 to vector<1x100000xf32>
    %sub3A_12 = arith.subf %get3A_1, %sub3A_11 : vector<1x100000xf32>
    %swap3A = arith.constant 0 : index
    %swap3A_13 = arith.constant 0 : index
    %swap3A_14 = vector.load %arg1[%swap3A, %swap3A_13] : memref<1x100000xf32, #tpu.memory_space<vmem>>, vector<1x100000xf32>
    tpu.vector_store %arg1[%swap3A, %swap3A_13], %sub3A_12 {strides = array<i32>} : memref<1x100000xf32, #tpu.memory_space<vmem>>, vector<1x100000xf32>,
    return
  }
}

module attributes {stable_mosaic.version = 14 : i64} {
  func.func @_tc_logits(%arg0: i32, %arg1: memref<32x64xf32, #tpu.memory_space<vmem>>, %arg2: memref<128x64xf32, #tpu.memory_space<vmem>>, %arg3: memref<1x128xf32, #tpu.memory_space<vmem>>, %arg4: memref<16384x128xf32, #tpu.memory_space<vmem>>, %arg5: memref<16384xf32, #tpu.memory_space<vmem>>, %arg6: memref<1x16384xf32, #tpu.memory_space<vmem>>, %arg7: memref<1x128xf32, #tpu.memory_space<vmem>>) attributes {dimension_semantics = [#tpu.dimension_semantics<arbitrary>], iteration_bounds = array<i64: 7>, scalar_prefetch = 0 : i64, scratch_operands = 1 : i64, tpu.core_type = #tpu.core_type<tc>, window_params = [{pipeline_mode = #tpu.pipeline_mode<synchronous>, transform_indices = @transform_0, window_bounds = array<i64: 32, 64>}, {pipeline_mode = #tpu.pipeline_mode<synchronous>, transform_indices = @transform_1, window_bounds = array<i64: 128, 64>}, {pipeline_mode = #tpu.pipeline_mode<synchronous>, transform_indices = @transform_2, window_bounds = array<i64: 1, 128>}, {transform_indices = @transform_3, window_bounds = array<i64: 16384, 128>}, {transform_indices = @transform_4, window_bounds = array<i64: 16384>}, {transform_indices = @transform_5, window_bounds = array<i64: 1, 16384>}]} {
    %eq3A = arith.constant 0 : i32
    %eq3A_0 = arith.cmpi eq, %arg0, %eq3A : i32
    %convert_element_type3A = arith.extui %eq3A_0 : i1 to i32
    %cond3A = arith.constant 0 : i32
    %cond3A_1 = arith.cmpi ne, %convert_element_type3A, %cond3A : i32
    scf.if %cond3A_1 {
      %get3A_12 = arith.constant 0 : index
      %get3A_13 = arith.constant 0 : index
      %get3A_14 = vector.load %arg1[%get3A_12, %get3A_13] : memref<32x64xf32, #tpu.memory_space<vmem>>, vector<32x64xf32>
      %reduce_sum3A = arith.constant dense<0.000000e+00> : vector<64xf32>
      %reduce_sum3A_15 = vector.multi_reduction <add>, %get3A_14, %reduce_sum3A [0] : vector<32x64xf32> to vector<64xf32>
      %broadcast_in_dim3A = vector.shape_cast %reduce_sum3A_15 : vector<64xf32> to vector<1x64xf32>
      %get3A_16 = arith.constant 0 : index
      %get3A_17 = arith.constant 0 : index
      %get3A_18 = vector.load %arg2[%get3A_16, %get3A_17] : memref<128x64xf32, #tpu.memory_space<vmem>>, vector<128x64xf32>
      %dot_general3A_19 = arith.constant dense<0.000000e+00> : vector<1x128xf32>
      %dot_general3A_20 = tpu.matmul %broadcast_in_dim3A, %get3A_18, %dot_general3A_19 {dimension_numbers = #tpu.dot_dimension_numbers<[1], [1], [0], [0], [0, 0, 1, 0], [], []>, transpose_lhs_hint = false} : vector<1x64xf32>, vector<128x64xf32>, vector<1x128xf32> -> vector<1x128xf32>
      %get3A_21 = arith.constant 0 : index
      %get3A_22 = arith.constant 0 : index
      %get3A_23 = vector.load %arg3[%get3A_21, %get3A_22] : memref<1x128xf32, #tpu.memory_space<vmem>>, vector<1x128xf32>
      %add3A_24 = arith.addf %dot_general3A_20, %get3A_23 : vector<1x128xf32>
      %max3A = arith.constant 0.000000e+00 : f32
      %max3A_25 = vector.broadcast %max3A : f32 to vector<1x128xf32>
      %max3A_26 = arith.maximumf %add3A_24, %max3A_25 : vector<1x128xf32>
      %swap3A_27 = arith.constant 0 : index
      %swap3A_28 = arith.constant 0 : index
      %swap3A_29 = vector.load %arg7[%swap3A_27, %swap3A_28] : memref<1x128xf32, #tpu.memory_space<vmem>>, vector<1x128xf32>
      tpu.vector_store %arg7[%swap3A_27, %swap3A_28], %max3A_26 {strides = array<i32>} : memref<1x128xf32, #tpu.memory_space<vmem>>, vector<1x128xf32>,
    } else {
    }
    %get3A = arith.constant 0 : index
    %get3A_2 = arith.constant 0 : index
    %get3A_3 = vector.load %arg7[%get3A, %get3A_2] : memref<1x128xf32, #tpu.memory_space<vmem>>, vector<1x128xf32>
    %get3A_4 = arith.constant 0 : index
    %get3A_5 = arith.constant 0 : index
    %get3A_6 = vector.load %arg4[%get3A_4, %get3A_5] : memref<16384x128xf32, #tpu.memory_space<vmem>>, vector<16384x128xf32>
    %dot_general3A = arith.constant dense<0.000000e+00> : vector<1x16384xf32>
    %dot_general3A_7 = tpu.matmul %get3A_3, %get3A_6, %dot_general3A {dimension_numbers = #tpu.dot_dimension_numbers<[1], [1], [0], [0], [0, 0, 1, 0], [], []>, transpose_lhs_hint = false} : vector<1x128xf32>, vector<16384x128xf32>, vector<1x16384xf32> -> vector<1x16384xf32>
    %get3A_8 = arith.constant 0 : index
    %get3A_9 = vector.load %arg5[%get3A_8] : memref<16384xf32, #tpu.memory_space<vmem>>, vector<16384xf32>
    %reshape3A = vector.shape_cast %get3A_9 : vector<16384xf32> to vector<1x16384xf32>
    %add3A = arith.addf %dot_general3A_7, %reshape3A : vector<1x16384xf32>
    %swap3A = arith.constant 0 : index
    %swap3A_10 = arith.constant 0 : index
    %swap3A_11 = vector.load %arg6[%swap3A, %swap3A_10] : memref<1x16384xf32, #tpu.memory_space<vmem>>, vector<1x16384xf32>
    tpu.vector_store %arg6[%swap3A, %swap3A_10], %add3A {strides = array<i32>} : memref<1x16384xf32, #tpu.memory_space<vmem>>, vector<1x16384xf32>,
    return
  }
  func.func @transform_0(%arg0: i32) -> (i32, i32) {
    %c0_i32 = arith.constant 0 : i32
    %c0_i32_0 = arith.constant 0 : i32
    %c0_i32_1 = arith.constant 0 : i32
    return %c0_i32, %c0_i32_0 : i32, i32
  }
  func.func @transform_1(%arg0: i32) -> (i32, i32) {
    %c0_i32 = arith.constant 0 : i32
    %c0_i32_0 = arith.constant 0 : i32
    %c0_i32_1 = arith.constant 0 : i32
    return %c0_i32, %c0_i32_0 : i32, i32
  }
  func.func @transform_2(%arg0: i32) -> (i32, i32) {
    %c0_i32 = arith.constant 0 : i32
    %c0_i32_0 = arith.constant 0 : i32
    %c0_i32_1 = arith.constant 0 : i32
    return %c0_i32, %c0_i32_0 : i32, i32
  }
  func.func @transform_3(%arg0: i32) -> (i32, i32) {
    %c0_i32 = arith.constant 0 : i32
    %c0_i32_0 = arith.constant 0 : i32
    return %arg0, %c0_i32 : i32, i32
  }
  func.func @transform_4(%arg0: i32) -> i32 {
    %c0_i32 = arith.constant 0 : i32
    return %arg0 : i32
  }
  func.func @transform_5(%arg0: i32) -> (i32, i32) {
    %c0_i32 = arith.constant 0 : i32
    %c0_i32_0 = arith.constant 0 : i32
    return %c0_i32, %arg0 : i32, i32
  }
}

</mosaic_0001>

<sc_bundles>
// kernel: kernel.5.cloned.1.call-start
scs
__scs_entry_jumppad:
0x0: {  	(pc) =	sbr.rel $0x88, $3  }
0x1: {  	(tag) =	ssettag $0x0;
	lr =	simm.s32 $0x1  }
0x2: {  	[smem:$0x3F9B] =	sst lr;
	_ =	strace $0xD0000000  }
0x3: {  	_ = 	snop  }
0x4: {  	_ = 	snop  }
0x5: {  	_ = 	snop  }
0x6: {  	_ = 	snop  }
0x7: {  	_ = 	snop  }
__scs_overlays_trampoline_lowered:
0x8: {  	[smem:$0x3FAA] =	sst s0  }
0x9: {  	[smem:$0x3FAB] =	sst s1  }
0xa: {  	[smem:$0x3FAC] =	sst s2  }
0xb: {  	[smem:$0x3FAD] =	sst s3  }
0xc: {  	[smem:$0x3FAE] =	sst s4  }
0xd: {  	[smem:$0x3FAF] =	sst s5  }
0xe: {  	[smem:$0x3FB0] =	sst s6  }
0xf: {  	[smem:$0x3FB1] =	sst s7  }
0x10: {  	[smem:$0x3FB2] =	sst s8  }
0x11: {  	[smem:$0x3FB3] =	sst s9;
	s0 =	simm.s32 @!p0 $0x0  }
0x12: {  	s1 =	sld [smem:$0x3F99];
	s0 =	simm.s32 @p0 $0x1  }
0x13: {  	[smem:$0x3FB4] =	sst s0;
	s0 =	simm.s32 @!p1 $0x0  }
0x14: {  	s2 =	sld [smem:$0x3F98];
	s0 =	simm.s32 @p1 $0x1  }
0x15: {  	[smem:$0x3FB5] =	sst s0;
	s0 =	simm.s32 @!p2 $0x0  }
0x16: {  	s3 =	sld [smem:$0x3FDB];
	s0 =	simm.s32 @p2 $0x1  }
0x17: {  	s4 =	simm.s32 $0x1BF5;
	[smem:$0x3FB7] =	sst s0  }
0x18: {  	s0 =	sld [smem:$0x3F9A];
	_ =	swait.ge [sflag:s4], $0x0  }
0x19: {  	s7 =	sld [smem:$0x3F9B]  }
0x1a: {  	s8 =	sadd.s32 $0xFFFFE003, lr  }
0x1b: {  	s9 =	sadd.s32 $0xFFFFFEF7, lr;
	s5 =	simm.s32 $0xFFFFFFFF;
	p2 =	slt.u32 s8, $0xFFFFF086  }
0x1c: {  	p1 =	slt.u32 s9, $0xF7A;
	s5 =	simm.s32 @!p2 $0x0  }
0x1d: {  	s5 =	simm.s32 @p1 $0x1;
	p0 =	seq.s32 s7, s2  }
0x1e: {  	s7 =	smul.u32 @!p0 $0xF7A, s2;
	p2 =	seq.s32 @!p0 s5, $0x0  }
0x1f: {  	s9 =	smul.u32 $0xF7A, s1;
	s8 =	simm.s32 @!p0 $0x1BF5;
	p2 =	por !p2, p0  }
0x20: {  	[sflag:s8] =	ssyncset.s32 @!p0 $0xFFFFF086;
	s6 =	sadd.s32 @!p0 s3, s7;
	s7 =	simm.s32 @!p0 $0x108  }
0x21: {  	s3 =	sadd.s32 s3, s9;
	s6 =	sadd.s32 @!p0 $0x88, s6;
	s7 =	simm.s32 @p2 $0x1082  }
0x22: {  	[simem:s7], [sflag:s8] =	dma.local @!p0 [hbm:s6], $0xF7A  }
0x23: {  	s9 =	sor.u32 $0xD0000000, s2;
	s6 =	simm.s32 $0x108;
	_ =	swait.ge @!p0 [sflag:s8], $0x0  }
0x24: {  	s3 =	sadd.s32 $0x88, s3;
	s6 =	simm.s32 @!p1 $0x1082;
	[sflag:s4] =	ssyncset.s32 $0xFFFFF086  }
0x25: {  	[simem:s6], [sflag:s4] =	dma.local [hbm:s3], $0xF7A  }
0x26: {  	[smem:$0x3F9B] =	sst s1;
	(tag) =	ssettag s2;
	_ =	strace s9  }
0x27: {  	s1 =	sld [smem:$0x3FAB]  }
0x28: {  	s2 =	sld [smem:$0x3FAC]  }
0x29: {  	s4 =	sld [smem:$0x3FAE]  }
0x2a: {  	p0 =	seq.s32 s5, $0x0;
	s5 =	sld [smem:$0x3FAF]  }
0x2b: {  	s6 =	sld [smem:$0x3FB0]  }
0x2c: {  	s7 =	sld [smem:$0x3FB1]  }
0x2d: {  	s3 =	simm.s32 $0x108;
	s8 =	sld [smem:$0x3FB2]  }
0x2e: {  	s3 =	simm.s32 @!p0 $0x1082;
	s9 =	sld [smem:$0x3FB3]  }
0x2f: {  	lr =	sadd.s32 s0, s3;
	s0 =	sld [smem:$0x3FAA]  }
0x30: {  	s3 =	sld [smem:$0x3FAD]  }
0x31: {  	[smem:$0x3FB6] =	sst s10  }
0x32: {  	s10 =	sld [smem:$0x3FB4];
	_ =	sdelay $0x3  }
0x33: {  	p0 =	seq.s32 s10, $0x1;
	s10 =	sld [smem:$0x3FB6];
	_ =	sdelay $0x3  }
0x34: {  	[smem:$0x3FB6] =	sst s10  }
0x35: {  	s10 =	sld [smem:$0x3FB5];
	_ =	sdelay $0x3  }
0x36: {  	p1 =	seq.s32 s10, $0x1;
	s10 =	sld [smem:$0x3FB6];
	_ =	sdelay $0x3  }
0x37: {  	[smem:$0x3FB6] =	sst s10  }
0x38: {  	s10 =	sld [smem:$0x3FB7]  }
0x39: {  	_ = 	snop;
	(pc) =	sbr.ind lr, $3  }
0x3a: {  	_ = 	snop  }
0x3b: {  	_ = 	snop  }
0x3c: {  	p2 =	seq.s32 s10, $0x1;
	s10 =	sld [smem:$0x3FB6]  }
0x3d: {  	_ =	shalt  }
0x3e: {  	_ =	shalt  }
0x3f: {  	_ =	shalt  }
0x40: {  	_ =	shalt  }
0x41: {  	_ =	shalt  }
0x42: {  	_ =	shalt  }
0x43: {  	_ =	shalt  }
0x44: {  	_ =	shalt  }
0x45: {  	_ =	shalt  }
0x46: {  	_ =	shalt  }
0x47: {  	_ =	shalt  }
0x48: {  	_ =	shalt  }
0x49: {  	_ =	shalt  }
0x4a: {  	_ =	shalt  }
0x4b: {  	_ =	shalt  }
0x4c: {  	_ =	shalt  }
0x4d: {  	_ =	shalt  }
0x4e: {  	_ =	shalt  }
0x4f: {  	_ =	shalt  }
0x50: {  	_ =	shalt  }
0x51: {  	_ =	shalt  }
0x52: {  	_ =	shalt  }
0x53: {  	_ =	shalt  }
0x54: {  	_ =	shalt  }
0x55: {  	_ =	shalt  }
0x56: {  	_ =	shalt  }
0x57: {  	_ =	shalt  }
0x58: {  	_ =	shalt  }
0x59: {  	_ =	shalt  }
0x5a: {  	_ =	shalt  }
0x5b: {  	_ =	shalt  }
0x5c: {  	_ =	shalt  }
0x5d: {  	_ =	shalt  }
0x5e: {  	_ =	shalt  }
0x5f: {  	_ =	shalt  }
0x60: {  	_ =	shalt  }
0x61: {  	_ =	shalt  }
0x62: {  	_ =	shalt  }
0x63: {  	_ =	shalt  }
0x64: {  	_ =	shalt  }
0x65: {  	_ =	shalt  }
0x66: {  	_ =	shalt  }
0x67: {  	_ =	shalt  }
0x68: {  	_ =	shalt  }
0x69: {  	_ =	shalt  }
0x6a: {  	_ =	shalt  }
0x6b: {  	_ =	shalt  }
0x6c: {  	_ =	shalt  }
0x6d: {  	_ =	shalt  }
0x6e: {  	_ =	shalt  }
0x6f: {  	_ =	shalt  }
0x70: {  	_ =	shalt  }
0x71: {  	_ =	shalt  }
0x72: {  	_ =	shalt  }
0x73: {  	_ =	shalt  }
0x74: {  	_ =	shalt  }
0x75: {  	_ =	shalt  }
0x76: {  	_ =	shalt  }
0x77: {  	_ =	shalt  }
0x78: {  	_ =	shalt  }
0x79: {  	_ =	shalt  }
0x7a: {  	_ =	shalt  }
0x7b: {  	_ =	shalt  }
0x7c: {  	_ =	shalt  }
0x7d: {  	_ =	shalt  }
0x7e: {  	_ =	shalt  }
0x7f: {  	_ =	shalt  }
0x80: {  	_ =	shalt  }
0x81: {  	_ =	shalt  }
0x82: {  	_ =	shalt  }
0x83: {  	_ =	shalt  }
0x84: {  	_ =	shalt  }
0x85: {  	_ =	shalt  }
0x86: {  	_ =	shalt  }
0x87: {  	_ =	shalt  }
.Lfunc_end0:
.L_simem_size_0:
called_computation_lowered:
.L_overlay_start_0:
0x88: {  	s2 =	sld [smem:$0x3FD9]  }
0x89: {  	s3 =	sld [smem:$0x3FFE];
	_ =	sdelay $0x1  }
0x8a: {  	s1 =	srdreg.scid  }
0x8b: {  	s0 =	sand.u32 $0x1, s1  }
0x8c: {  	s18 =	sshll.u32 s0, $0xA;
	s2 =	sadd.s32 s3, s2  }
0x8d: {  	s2 =	sadd.s32 s2, s18  }
0x8e: {  	[smem:$0x3FC2] =	sst s2  }
0x8f: {  	_ = 	snop  }
0x90: {  	s2 =	sld [smem:$0x3FC9]  }
0x91: {  	s19 =	sld [smem:$0x3FC8]  }
0x92: {  	s4 =	sld [smem:$0x3FD0];
	(tm) =	ssettm $0x1  }
0x93: {  	s5 =	sld [smem:$0x3FFB];
	_ =	sdelay $0x3  }
0x94: {  	_ =	strace s5  }
0x95: {  	s5 =	sld [smem:$0x3FFC];
	_ =	sdelay $0x3  }
0x96: {  	_ =	strace s5  }
0x97: {  	s5 =	sld [smem:$0x3FFD];
	_ =	sdelay $0x3  }
0x98: {  	_ =	strace s5  }
0x99: {  	_ =	strace $0x8FFFFFFF  }
0x9a: {  	s20 =	sld [smem:$0x3FDB];
	_ =	sdelay $0x1  }
0x9b: {  	s6 =	simm.s32 $_scs_section_size  }
0x9c: {  	s7 =	simm.s32 $_size__tile_overlayer_lowered;
	s8 =	simm.s32 $_tile_overlayer_lowered  }
0x9d: {  	s23 =	simm.s32 $0x1BFF;
	s22 =	sshll.u32 s8, $0x1;
	s5 =	sadd.s32 s6, s20  }
0x9e: {  	s9 =	simm.s32 $0x0;
	s21 =	sshll.u32 s7, $0x1;
	s7 =	sadd.s32 s22, s5  }
0x9f: {  	[timem:s9], [sflag:s23] =	dma.local [hbm:s7], s21  }
0xa0: {  	_ =	swait.ge [sflag:s23], s21  }
0xa1: {  	s6 =	ssub.s32 $0x0, s21;
	[sflag:s23] =	ssyncset.done $0x0  }
0xa2: {  	[sflag:s23] =	ssyncadd.s32 s6;
	_ =	sdelay $0x1  }
0xa3: {  	s24 =	simm.s32 $0x1B8B  }
0xa4: {  	_ =	swait.ge [sflag:s24], $0x1  }
0xa5: {  	[sflag:s24] =	ssyncset.done $0x0  }
0xa6: {  	s25 =	simm.s32 $0x1B8E;
	[sflag:s24] =	ssyncadd.s32 $0xFFFFFFFF  }
0xa7: {  	s26 =	simm.s32 $execute0_lowered;
	[smem:$0x3FD2] =	sst s25  }
0xa8: {  	s6 =	sshll.u32 s26, $0x1;
	_ =	strace $0x80000046;
	[dreg:$0x1] =	wrdreg $0xFFFFFFFF  }
0xa9: {  	s28 =	simm.s32 $_size_execute0_lowered;
	s5 =	sadd.s32 s5, s6;
	[dreg:$0x0] =	wrdreg $0x0  }
0xaa: {  	s6 =	sshll.u32 s28, $0x1;
	[dreg:$0x2] =	wrdreg s5  }
0xab: {  	[dreg:$0x3] =	wrdreg s6  }
0xac: {  	[dreg:$0x4] =	wrdreg $0xC0  }
0xad: {  	_ =	task [dreg:s9], $0x5FFFF  }
0xae: {  	[dreg:$0x1] =	wrdreg $0xFFFFFFFF  }
0xaf: {  	[dreg:$0x0] =	wrdreg $0x60  }
0xb0: {  	[dreg:$0x2] =	wrdreg s2  }
0xb1: {  	[dreg:$0x3] =	wrdreg s19  }
0xb2: {  	[dreg:$0x4] =	wrdreg s4  }
0xb3: {  	[dreg:$0x5] =	wrdreg $0x9  }
0xb4: {  	_ =	task.clear_ibuf [dreg:s9], $0x6FFFF;
	_ =	strace $0x90000046  }
0xb5: {  	s29 =	simm.s32 $0x9;
	_ =	strace $0x80000048  }
0xb6: {  	_ =	swait.ge [sflag:s29], $0x1  }
0xb7: {  	[sflag:s29] =	ssyncadd.s32 $0xFFFFFFFF  }
0xb8: {  	_ =	strace $0x90000048  }
0xb9: {  	_ =	sfence  }
0xba: {  	s30 =	sld [smem:$0x0];
	_ =	sdelay $0x2  }
0xbb: {  	s31 =	sshll.u32 s1, $0xD;
	s1 =	sshrl.u32 s1, $0x2  }
0xbc: {  	s3 =	sand.u32 $0x4000, s31;
	s1 =	sadd.s32 s1, s30  }
0xbd: {  	s0 =	sor.u32 s3, s0;
	s1 =	sshll.u32 s1, $0x11  }
0xbe: {  	s0 =	sor.u32 s1, s0  }
0xbf: {  	s0 =	sadd.s32 $0x8F2B, s0  }
0xc0: {  	[sflag:s0] =	ssyncadd.remote.s32 $0x1  }
0xc1: {  	_ =	sfence.sel $0xFFFF  }
0xc2: {  	[dreg:$0x0] =	wrdreg $0xFFFFFFFF;
	(pc) =	sbr.abs _section_cstart, $3  }
0xc3: {  	[dreg:$0x1] =	wrdreg $0xFFFFFFFF  }
0xc4: {  	_ =	task.clear_ibuf [dreg:s9], $0x2FFFF;
	_ =	strace $0x9FFFFFFF  }
0xc5: {  	(tm) =	ssettm $0x7FFFFFFF  }
tec
execute0_lowered:
.L_overlay_start_1:
0x0: {  	(tag) =	ssettag $0x1  }
0x1: {  	s4 =	rddreg [dreg:$0x0]  }
0x2: {  	s2 =	rddreg [dreg:$0x1]  }
0x3: {  	s5 =	rddreg [dreg:$0x2]  }
0x4: {  	s0 =	rddreg [dreg:$0x3]  }
0x5: {  	s6 =	srdreg.scid;
	s1 =	stileid.u32;
	s3 =	simm.s32 $0x0  }
0x6: {  	s10 =	simm.s32 $0x80;
	s11 =	simm.s32 $0x2080;
	s12 =	simm.s32 $0x4080  }
0x7: {  	s13 =	simm.s32 $0x6080;
	s14 =	simm.s32 $0x8080;
	s15 =	simm.s32 $0xA080  }
0x8: {  	s16 =	simm.s32 $0xC080;
	s17 =	simm.s32 $0xE080;
	s18 =	simm.s32 $0x1  }
0x9: {  	s19 =	simm.s32 $0x10080;
	s6 =	sand.u32 $0x1, s6;
	s7 =	sshll.u32 s1, $0x1  }
.Ltmp0:
0xa: {  	vm0 =	vmmov $0x1;
	[smem:$0x7FF] =	sst s3;
	s8 =	ssub.s32 $0x2, s6;
	(pc) =	sbr.rel .LBB2_1-.Ltmp0, $4  }
0xb: {  	vm1 =	vcmask $0x308;
	vm2 =	vcmask $0x70C;
	v0 =	vlaneseq.u32;
	s7 =	sor.u32 s6, s7;
	_ =	strace $0x80000047;
	s31 =	sshrl.u32 s8, $0x1  }
0xc: {  	vm3 =	vcmask $0xB10;
	vm4 =	vcmask $0xF14;
	v0 =	vmul.u32 $0x80, v0;
	s9 =	sshll.u32 s7, $0x4;
	s4 =	sadd.s32 s4, s7;
	p0 =	sgt.u32 s7, $0x18  }
0xd: {  	vm5 =	vcmask $0x1318;
	vm6 =	vcmask $0x171C;
	vm7 =	vcmask $0x1B20;
	s7 =	simm.s32 $0x2;
	s6 =	ssub.s32 s8, s31;
	s5 =	sadd.s32 s5, s9  }
0xe: {  	v1 =	vor.u32 $0x800, v0;
	v2 =	vor.u32 $0x1000, v0;
	v3 =	vor.u32 $0x1800, v0;
	s8 =	simm.s32 $0x400;
	s9 =	simm.s32 $0xC3800;
	s6 =	smax.u32 s6, $0x1  }
.LBB2_3:
0xf: {  	v4 =	vimm.f32 $0.0e+00  }
0x10: {  	[tilespmem:$0x10080] =	vst v4  }
0x11: {  	[tilespmem:$0x10090] =	vst v4  }
0x12: {  	[tilespmem:$0x100A0] =	vst v4  }
.LBB2_4:
0x13: {  	s6 =	sadd.s32 $0xFFFFFFFF, s6  }
0x14: {  	p1 =	sne.s32 s6, $0x0  }
.Ltmp1:
0x15: {  	[tilespmem:$0x100B0] =	vst v4;
	(pc) =	sbr.rel @!p1 .LBB2_5-.Ltmp1, $4  }
0x16: {  	[hbm4b:s5+s3] =	stream.linear.scatter [tilespmem:s19], [sflag:$0x2], $0x80, $0x38;
	[tilespmem:$0x10100] =	vst v63  }
0x17: {  	_ =	swait.ge [sflag:s7], $0x80  }
0x18: {  	[sflag:s7] =	ssyncset.done $0x0  }
0x19: {  	[sflag:s7] =	ssyncadd.s32 $0xFFFFFF80  }
.LBB2_1:
.Ltmp2:
0x1a: {  	(pc) =	sbr.rel @p0 .LBB2_3-.Ltmp2, $1  }
0x1b: {  	_ =	sdelay $0x3  }
0x1c: {  	[tilespmem:s3], [sflag:$0x2] =	stream.linear.gather [hbm4b:s4+s3], $0x8, $0x38;
	[tilespmem:$0x10100] =	vst v63  }
0x1d: {  	_ =	swait.ge [sflag:s7], $0x8  }
0x1e: {  	[sflag:s7] =	ssyncset.done $0x0  }
0x1f: {  	[sflag:s7] =	ssyncadd.s32 $0xFFFFFFF8  }
0x20: {  	v4 =	vld [tilespmem:$0x0];
	_ =	sdelay $0x4  }
0x21: {  	v5 =	vnsel vm0, $0x0, v4  }
0x22: {  	(xrf0) =	vadd.scan.msk.s32 $0xffff, v5;
	v5 =	vsel vm1, $0x0, v4  }
0x23: {  	(xrf0) =	vadd.scan.msk.s32 $0xffff, v5;
	v5 =	vsel vm2, $0x0, v4  }
0x24: {  	(xrf0) =	vadd.scan.msk.s32 $0xffff, v5;
	_ =	sdelay $0x3  }
0x25: {  	v5, _, _ =	vpop (xrf0)  }
0x26: {  	(v2sf) =	vpush v5, $0xF;
	v5 =	vsel vm3, $0x0, v4;
	v6, _, _ =	vpop (xrf0)  }
0x27: {  	(xrf0) =	vadd.scan.msk.s32 $0xffff, v5;
	(v2sf) =	vpush v6, $0xF;
	v5 =	vsel vm4, $0x0, v4;
	v6, _, _ =	vpop (xrf0)  }
0x28: {  	(xrf0) =	vadd.scan.msk.s32 $0xffff, v5;
	(v2sf) =	vpush v6, $0xF;
	_ =	sdelay $0x3  }
0x29: {  	v5 =	vsel vm5, $0x0, v4  }
0x2a: {  	v6, _, _ =	vpop (xrf0);
	(xrf0) =	vadd.scan.msk.s32 $0xffff, v5;
	v5 =	vsel vm6, $0x0, v4  }
0x2b: {  	(v2sf) =	vpush v6, $0xF;
	v6, _, _ =	vpop (xrf0);
	(xrf0) =	vadd.scan.msk.s32 $0xffff, v5  }
0x2c: {  	(v2sf) =	vpush v6, $0xF;
	_ =	sdelay $0x1  }
0x2d: {  	v4 =	vsel vm7, $0x0, v4;
	_ =	sdelay $0x1  }
0x2e: {  	v5, _, _ =	vpop (xrf0);
	(xrf0) =	vadd.scan.msk.s32 $0xffff, v4  }
0x2f: {  	(v2sf) =	vpush v5, $0xF;
	v4, _, _ =	vpop (xrf0)  }
0x30: {  	s20 =	spop (v2sf);
	(v2sf) =	vpush v4, $0xF  }
0x31: {  	s21 =	sand.u32 $0xFFFFF80, s20;
	s22 =	spop (v2sf)  }
0x32: {  	s21 =	sadd.s32 s2, s21;
	s24 =	sand.u32 $0xFFFFF80, s22;
	s23 =	spop (v2sf)  }
0x33: {  	[tilespmem:s10], [sflag:$0x1] =	stream.strided.gather [hbm4b:s21+s8], $0x2000, s9, s8, $0x38;
	[tilespmem:$0x10100] =	vst v63  }
0x34: {  	s21 =	sadd.s32 s2, s24;
	s25 =	sand.u32 $0xFFFFF80, s23;
	v4, _, _ =	vpop (xrf0)  }
0x35: {  	(v2sf) =	vpush v4, $0xF;
	[tilespmem:s11], [sflag:$0x1] =	stream.strided.gather [hbm4b:s21+s8], $0x2000, s9, s8, $0x38;
	[tilespmem:$0x10100] =	vst v63  }
0x36: {  	s21 =	sadd.s32 s2, s25  }
0x37: {  	[tilespmem:s12], [sflag:$0x1] =	stream.strided.gather [hbm4b:s21+s8], $0x2000, s9, s8, $0x38;
	[tilespmem:$0x10100] =	vst v63  }
0x38: {  	s24 =	spop (v2sf)  }
0x39: {  	s26 =	sand.u32 $0xFFFFF80, s24;
	s25 =	spop (v2sf)  }
0x3a: {  	s21 =	sadd.s32 s2, s26;
	s28 =	sand.u32 $0xFFFFF80, s25  }
0x3b: {  	[tilespmem:s13], [sflag:$0x1] =	stream.strided.gather [hbm4b:s21+s8], $0x2000, s9, s8, $0x38;
	[tilespmem:$0x10100] =	vst v63  }
0x3c: {  	s21 =	sadd.s32 s2, s28  }
0x3d: {  	[tilespmem:s14], [sflag:$0x1] =	stream.strided.gather [hbm4b:s21+s8], $0x2000, s9, s8, $0x38;
	[tilespmem:$0x10100] =	vst v63  }
0x3e: {  	s26 =	spop (v2sf)  }
0x3f: {  	s29 =	sand.u32 $0xFFFFF80, s26;
	s28 =	spop (v2sf)  }
0x40: {  	s21 =	sadd.s32 s2, s29;
	s30 =	sand.u32 $0xFFFFF80, s28  }
0x41: {  	[tilespmem:s15], [sflag:$0x1] =	stream.strided.gather [hbm4b:s21+s8], $0x2000, s9, s8, $0x38;
	[tilespmem:$0x10100] =	vst v63  }
0x42: {  	s21 =	sadd.s32 s2, s30  }
0x43: {  	[tilespmem:s16], [sflag:$0x1] =	stream.strided.gather [hbm4b:s21+s8], $0x2000, s9, s8, $0x38;
	[tilespmem:$0x10100] =	vst v63  }
0x44: {  	s29 =	spop (v2sf)  }
0x45: {  	s31 =	sand.u32 $0xFFFFF80, s29  }
0x46: {  	s21 =	sadd.s32 s2, s31  }
0x47: {  	[tilespmem:s17], [sflag:$0x1] =	stream.strided.gather [hbm4b:s21+s8], $0x2000, s9, s8, $0x38;
	[tilespmem:$0x10100] =	vst v63  }
0x48: {  	_ =	swait.ge [sflag:s18], $0x2000  }
0x49: {  	[sflag:s18] =	ssyncset.done $0x0  }
0x4a: {  	[sflag:s18] =	ssyncadd.s32 $0xFFFFE000  }
0x4b: {  	_ =	swait.ge [sflag:s18], $0x2000  }
0x4c: {  	[sflag:s18] =	ssyncset.done $0x0  }
0x4d: {  	[sflag:s18] =	ssyncadd.s32 $0xFFFFE000  }
0x4e: {  	_ =	swait.ge [sflag:s18], $0x2000  }
0x4f: {  	[sflag:s18] =	ssyncset.done $0x0  }
0x50: {  	[sflag:s18] =	ssyncadd.s32 $0xFFFFE000  }
0x51: {  	_ =	swait.ge [sflag:s18], $0x2000  }
0x52: {  	[sflag:s18] =	ssyncset.done $0x0  }
0x53: {  	[sflag:s18] =	ssyncadd.s32 $0xFFFFE000  }
0x54: {  	_ =	swait.ge [sflag:s18], $0x2000  }
0x55: {  	[sflag:s18] =	ssyncset.done $0x0  }
0x56: {  	[sflag:s18] =	ssyncadd.s32 $0xFFFFE000  }
0x57: {  	_ =	swait.ge [sflag:s18], $0x2000  }
0x58: {  	[sflag:s18] =	ssyncset.done $0x0  }
0x59: {  	[sflag:s18] =	ssyncadd.s32 $0xFFFFE000  }
0x5a: {  	s20 =	sand.u32 $0x7F, s20;
	_ =	swait.ge [sflag:s18], $0x2000  }
0x5b: {  	v4 =	vor.u32 s20, v0;
	[sflag:s18] =	ssyncset.done $0x0  }
0x5c: {  	s22 =	sand.u32 $0x7F, s22;
	[sflag:s18] =	ssyncadd.s32 $0xFFFFE000  }
0x5d: {  	v5 =	vor.u32 s22, v0;
	_ =	swait.ge [sflag:s18], $0x2000  }
0x5e: {  	s23 =	sand.u32 $0x7F, s23;
	[sflag:s18] =	ssyncset.done $0x0  }
0x5f: {  	v6 =	vor.u32 s23, v0;
	[sflag:s18] =	ssyncadd.s32 $0xFFFFE000  }
0x60: {  	s24 =	sand.u32 $0x7F, s24;
	v4 =	vld.idx.msk [tilespmem:v4+s10+$0x0], $0xffff  }
0x61: {  	v7 =	vor.u32 s24, v0  }
0x62: {  	s25 =	sand.u32 $0x7F, s25;
	v5 =	vld.idx.msk [tilespmem:v5+s11+$0x0], $0xffff  }
0x63: {  	v8 =	vor.u32 s25, v0  }
0x64: {  	s26 =	sand.u32 $0x7F, s26;
	v6 =	vld.idx.msk [tilespmem:v6+s12+$0x0], $0xffff  }
0x65: {  	v9 =	vor.u32 s26, v0;
	v4 =	vadd.f32 $0.0e+00, v4  }
0x66: {  	s30 =	sand.u32 $0x7F, s28;
	v7 =	vld.idx.msk [tilespmem:v7+s13+$0x0], $0xffff  }
0x67: {  	v4 =	vadd.f32 v5, v4;
	v5 =	vor.u32 s30, v0  }
0x68: {  	s31 =	sand.u32 $0x7F, s29;
	v8 =	vld.idx.msk [tilespmem:v8+s14+$0x0], $0xffff  }
0x69: {  	v4 =	vadd.f32 v6, v4;
	v6 =	vor.u32 s31, v0  }
0x6a: {  	v9 =	vld.idx.msk [tilespmem:v9+s15+$0x0], $0xffff  }
0x6b: {  	v4 =	vadd.f32 v7, v4  }
0x6c: {  	v5 =	vld.idx.msk [tilespmem:v5+s16+$0x0], $0xffff  }
0x6d: {  	v4 =	vadd.f32 v8, v4  }
0x6e: {  	v6 =	vld.idx.msk [tilespmem:v6+s17+$0x0], $0xffff  }
0x6f: {  	v4 =	vadd.f32 v9, v4;
	_ =	sdelay $0x1  }
0x70: {  	v4 =	vadd.f32 v5, v4;
	v5 =	vor.u32 s20, v1;
	_ =	sdelay $0x1  }
0x71: {  	v4 =	vadd.f32 v6, v4;
	v6 =	vor.u32 s22, v1;
	_ =	sdelay $0x1  }
0x72: {  	[tilespmem:$0x10080] =	vst v4;
	v4 =	vor.u32 s23, v1  }
0x73: {  	v5 =	vld.idx.msk [tilespmem:v5+s10+$0x0], $0xffff  }
0x74: {  	v7 =	vor.u32 s24, v1  }
0x75: {  	v6 =	vld.idx.msk [tilespmem:v6+s11+$0x0], $0xffff  }
0x76: {  	v57 =	vor.u32 s25, v1  }
0x77: {  	v4 =	vld.idx.msk [tilespmem:v4+s12+$0x0], $0xffff  }
0x78: {  	v58 =	vor.u32 s26, v1;
	v5 =	vadd.f32 $0.0e+00, v5  }
0x79: {  	v7 =	vld.idx.msk [tilespmem:v7+s13+$0x0], $0xffff  }
0x7a: {  	v5 =	vadd.f32 v6, v5;
	v6 =	vor.u32 s30, v1  }
0x7b: {  	v8 =	vld.idx.msk [tilespmem:v57+s14+$0x0], $0xffff  }
0x7c: {  	v4 =	vadd.f32 v4, v5;
	v5 =	vor.u32 s31, v1  }
0x7d: {  	v9 =	vld.idx.msk [tilespmem:v58+s15+$0x0], $0xffff  }
0x7e: {  	v4 =	vadd.f32 v7, v4  }
0x7f: {  	v6 =	vld.idx.msk [tilespmem:v6+s16+$0x0], $0xffff  }
0x80: {  	v4 =	vadd.f32 v8, v4  }
0x81: {  	v5 =	vld.idx.msk [tilespmem:v5+s17+$0x0], $0xffff  }
0x82: {  	v4 =	vadd.f32 v9, v4;
	_ =	sdelay $0x1  }
0x83: {  	v4 =	vadd.f32 v6, v4;
	v6 =	vor.u32 s20, v2;
	_ =	sdelay $0x1  }
0x84: {  	v4 =	vadd.f32 v5, v4;
	v5 =	vor.u32 s22, v2;
	_ =	sdelay $0x1  }
0x85: {  	[tilespmem:$0x10090] =	vst v4;
	v4 =	vor.u32 s23, v2  }
0x86: {  	v6 =	vld.idx.msk [tilespmem:v6+s10+$0x0], $0xffff  }
0x87: {  	v7 =	vor.u32 s24, v2  }
0x88: {  	v5 =	vld.idx.msk [tilespmem:v5+s11+$0x0], $0xffff  }
0x89: {  	v59 =	vor.u32 s25, v2  }
0x8a: {  	v4 =	vld.idx.msk [tilespmem:v4+s12+$0x0], $0xffff  }
0x8b: {  	v60 =	vor.u32 s26, v2;
	v6 =	vadd.f32 $0.0e+00, v6  }
0x8c: {  	v7 =	vld.idx.msk [tilespmem:v7+s13+$0x0], $0xffff  }
0x8d: {  	v5 =	vadd.f32 v5, v6;
	v6 =	vor.u32 s30, v2  }
0x8e: {  	v8 =	vld.idx.msk [tilespmem:v59+s14+$0x0], $0xffff  }
0x8f: {  	v4 =	vadd.f32 v4, v5;
	v5 =	vor.u32 s31, v2  }
0x90: {  	v9 =	vld.idx.msk [tilespmem:v60+s15+$0x0], $0xffff  }
0x91: {  	v4 =	vadd.f32 v7, v4  }
0x92: {  	v6 =	vld.idx.msk [tilespmem:v6+s16+$0x0], $0xffff  }
0x93: {  	v4 =	vadd.f32 v8, v4  }
0x94: {  	v5 =	vld.idx.msk [tilespmem:v5+s17+$0x0], $0xffff  }
0x95: {  	v4 =	vadd.f32 v9, v4;
	_ =	sdelay $0x1  }
0x96: {  	v7 =	vor.u32 s20, v3;
	v4 =	vadd.f32 v6, v4;
	_ =	sdelay $0x1  }
0x97: {  	v6 =	vor.u32 s22, v3;
	v4 =	vadd.f32 v5, v4;
	_ =	sdelay $0x1  }
0x98: {  	v5 =	vor.u32 s23, v3;
	[tilespmem:$0x100A0] =	vst v4  }
0x99: {  	v4 =	vld.idx.msk [tilespmem:v7+s10+$0x0], $0xffff  }
0x9a: {  	v7 =	vor.u32 s24, v3  }
0x9b: {  	v6 =	vld.idx.msk [tilespmem:v6+s11+$0x0], $0xffff  }
0x9c: {  	v61 =	vor.u32 s25, v3  }
0x9d: {  	v5 =	vld.idx.msk [tilespmem:v5+s12+$0x0], $0xffff  }
0x9e: {  	v62 =	vor.u32 s26, v3;
	v4 =	vadd.f32 $0.0e+00, v4  }
0x9f: {  	v7 =	vld.idx.msk [tilespmem:v7+s13+$0x0], $0xffff  }
0xa0: {  	v10 =	vor.u32 s30, v3;
	v4 =	vadd.f32 v6, v4  }
0xa1: {  	v6 =	vld.idx.msk [tilespmem:v61+s14+$0x0], $0xffff  }
0xa2: {  	v63 =	vor.u32 s31, v3;
	v4 =	vadd.f32 v5, v4  }
0xa3: {  	v5 =	vld.idx.msk [tilespmem:v62+s15+$0x0], $0xffff  }
0xa4: {  	v4 =	vadd.f32 v7, v4  }
0xa5: {  	v7 =	vld.idx.msk [tilespmem:v10+s16+$0x0], $0xffff  }
0xa6: {  	v4 =	vadd.f32 v6, v4  }
0xa7: {  	v6 =	vld.idx.msk [tilespmem:v63+s17+$0x0], $0xffff  }
.Ltmp3:
0xa8: {  	v4 =	vadd.f32 v5, v4;
	(pc) =	sbr.rel .LBB2_4-.Ltmp3, $3  }
0xa9: {  	_ = 	snop  }
0xaa: {  	v4 =	vadd.f32 v7, v4;
	_ =	sdelay $0x1  }
0xab: {  	v4 =	vadd.f32 v6, v4  }
.LBB2_5:
0xac: {  	_ =	sfence.sel $0x180000  }
0xad: {  	[bflag:$0x0] =	sbarrier.arrive $0xFFFF  }
0xae: {  	p0 =	sne.s32 s1, $0x0;
	_ =	strace $0x90000047  }
0xaf: {  	s0 =	sadd.s32 @!p0 $0x100000, s0;
	[bflag:$0x2] =	sbarrier.arrive $0xFFFF  }
0xb0: {  	[sflag:s0] =	ssyncadd.tile.s32 @!p0 $0x1;
	_ =	shalt  }
.Lfunc_end2:
_tile_overlayer_lowered:
.L_overlay_start_2:
0xb1: {  	(tag) =	ssettag $0x2  }
0xb2: {  	s0 =	rddreg [dreg:$0x0];
	s2 =	stileid.u32  }
0xb3: {  	s1 =	rddreg [dreg:$0x1];
	p0 =	sne.s32 s2, $0x0  }
0xb4: {  	s3 =	rddreg [dreg:$0x2];
	[bflag:$0x3] =	sbarrier.arrive $0xFFFF;
	s2 =	simm.s32 @!p0 $0x1C02  }
0xb5: {  	[timem:s3], [sflag:s2] =	dma.local @!p0 [hbm:s0], s1  }
0xb6: {  	s0 =	simm.s32 @!p0 $0x2  }
0xb7: {  	_ =	swait.ge @!p0 [sflag:s0], s1  }
0xb8: {  	s1 =	ssub.s32 @!p0 $0x0, s1;
	[sflag:s0] =	ssyncset.done @!p0 $0x0  }
0xb9: {  	[sflag:s0] =	ssyncadd.s32 @!p0 s1  }
0xba: {  	[bflag:$0x3] =	sbarrier.arrive $0xFFFF  }
0xbb: {  	_ =	shalt  }

</sc_bundles>
